<compile_context>
chip_gen: v7x
topology: tpu7x:2x2x1
jax: 0.10.2.dev20260603
libtpu: 0.0.44.dev20260713+nightly
codegen_flags: <defaults>
</compile_context>

<pallas_src>
import functools

import jax
import jax.numpy as jnp
from jax import lax
from jax.experimental import pallas as pl
from jax.experimental.pallas import tpu as pltpu
from jax.experimental.pallas import tpu_sc as plsc

N = 10000
E = 320000
F = 128
F2 = F // 2
NC = 2
NS = 16
NW = NC * NS
EW = E // NW
CH = 125
KT = (E // NS) // CH
RPT = N // NS


@functools.cache
def _deg_kernel_fn():
    return functools.partial(
        pl.kernel,
        out_type=jax.ShapeDtypeStruct((NW * N,), jnp.float32),
        scratch_types=[
            pltpu.VMEM((EW,), jnp.int32),
            pltpu.VMEM((N,), jnp.float32),
            pltpu.SemaphoreType.DMA,
        ],
        mesh=plsc.VectorSubcoreMesh(core_axis_name="c", subcore_axis_name="s",
                                    num_cores=NC, num_subcores=NS),
        compiler_params=pltpu.CompilerParams(needs_layout_passes=False,
                                             use_tc_tiling_on_sc=False),
    )(_deg_body)


def _deg_body(src_hbm, out_hbm, src_v, hist_v, sem):
    c = lax.axis_index("c")
    s = lax.axis_index("s")
    wid = c * NS + s
    stage = pltpu.async_copy(src_hbm.at[pl.ds(wid * EW, EW)], src_v, sem)

    zeros16 = jnp.zeros((16,), jnp.float32)

    @pl.loop(0, N // 16, unroll=8)
    def _zero(i):
        hist_v[pl.ds(i * 16, 16)] = zeros16

    stage.wait()
    ones16 = jnp.ones((16,), jnp.float32)

    @pl.loop(0, EW // 16, unroll=8)
    def _accum(i):
        idx = src_v[pl.ds(i * 16, 16)]
        plsc.addupdate_scatter(hist_v, [idx], ones16)

    pltpu.sync_copy(hist_v, out_hbm.at[pl.ds(wid * N, N)])


def _mm_body(feat_ref, w_ref, degp_ref, src_ref,
             hs_ref, norm_ref, srcx0_ref, srcx1_ref):
    deg = jnp.sum(degp_ref[...], axis=0)
    norm = lax.rsqrt(jnp.maximum(deg, 1.0))
    h = jnp.dot(feat_ref[...], w_ref[...], preferred_element_type=jnp.float32)
    hs_ref[...] = h * norm[:, None]
    norm_ref[...] = norm.reshape(1, N)
    srcx0_ref[...] = src_ref[...] * 2
    srcx1_ref[...] = src_ref[...] * 2 + 1


def _matmul_norm(feat, weight, degp, src2d):
    return pl.pallas_call(
        _mm_body,
        out_shape=[
            jax.ShapeDtypeStruct((N, F), jnp.float32),
            jax.ShapeDtypeStruct((1, N), jnp.float32),
            jax.ShapeDtypeStruct((NS * KT, CH), jnp.int32),
            jax.ShapeDtypeStruct((NS * KT, CH), jnp.int32),
        ],
    )(feat, weight, degp, src2d)


@functools.cache
def _scatter_kernel_fn():
    return functools.partial(
        pl.kernel,
        out_type=jax.ShapeDtypeStruct((N, F), jnp.float32),
        scratch_types=[
            pltpu.VMEM((KT, CH), jnp.int32),
            pltpu.VMEM((KT, CH), jnp.int32),
            pltpu.VMEM((5, CH, F2), jnp.float32),
            pltpu.VMEM((640,), jnp.float32),
            pltpu.VMEM((F2,), jnp.float32),
            pltpu.VMEM_SHARED((N, F2), jnp.float32),
            pltpu.SemaphoreType.DMA,
            pltpu.SemaphoreType.DMA,
            pltpu.SemaphoreType.DMA,
            pltpu.SemaphoreType.DMA,
            pltpu.SemaphoreType.DMA,
            pltpu.SemaphoreType.DMA,
            pltpu.SemaphoreType.DMA,
            pltpu.SemaphoreType.DMA,
            pltpu.SemaphoreType.DMA,
            pltpu.SemaphoreType.DMA,
        ],
        mesh=plsc.VectorSubcoreMesh(core_axis_name="c", subcore_axis_name="s",
                                    num_cores=NC, num_subcores=NS),
        compiler_params=pltpu.CompilerParams(needs_layout_passes=False,
                                             use_tc_tiling_on_sc=False),
    )(_scatter_body)


def _scatter_body(hs2_hbm, srcx0_hbm, srcx1_hbm, dst_hbm, zeros_hbm,
                  norm_hbm, bias_hbm, out_hbm,
                  src_v, dst_v, rows_v, norm_v, bias_v, acc_s,
                  gs0, gs1, gs2, gs3, gs4, ss0, ss1, ss2, ss3, ss4):
    c = lax.axis_index("c")
    s = lax.axis_index("s")
    gsem = (gs0, gs1, gs2, gs3, gs4)
    ssem = (ss0, ss1, ss2, ss3, ss4)

    r0 = s * RPT
    nbase = (r0 // 8) * 8
    stages = [
        pltpu.async_copy(zeros_hbm, acc_s.at[pl.ds(s * RPT, RPT)], ssem[0]),
        pltpu.async_copy(dst_hbm.at[pl.ds(s * KT, KT)], dst_v, gsem[1]),
        pltpu.async_copy(norm_hbm.at[pl.ds(nbase, 640)], norm_v, gsem[2]),
        pltpu.async_copy(bias_hbm.at[pl.ds(c * F2, F2)], bias_v, gsem[3]),
    ]

    @pl.when(c == 0)
    def _stage0():
        pltpu.sync_copy(srcx0_hbm.at[pl.ds(s * KT, KT)], src_v)

    @pl.when(c == 1)
    def _stage1():
        pltpu.sync_copy(srcx1_hbm.at[pl.ds(s * KT, KT)], src_v)

    for d in stages:
        d.wait()
    plsc.subcore_barrier()

    def _edge_loop(hs_hbm):
        def _gather(j, b):
            pltpu.async_copy(hs_hbm.at[src_v.at[j]], rows_v.at[b], gsem[b])

        def _scatter(j, b):
            pltpu.async_copy(rows_v.at[b], acc_s.at[dst_v.at[j]], ssem[b],
                             add=True)

        _gather(0, 0)
        _gather(1, 1)

        @pl.loop(0, KT, step=5)
        def _edges(j0):
            for b in range(5):
                j = j0 + b
                pltpu.make_async_copy(hs_hbm.at[src_v.at[j]], rows_v.at[b],
                                      gsem[b]).wait()
                _scatter(j, b)
                b2 = (b + 2) % 5

                @pl.when(j >= 3)
                def _drain_scatter():
                    pltpu.make_async_copy(rows_v.at[b2],
                                          acc_s.at[dst_v.at[j]],
                                          ssem[b2]).wait()

                @pl.when(j + 2 < KT)
                def _start_next():
                    _gather(j + 2, b2)

        for t in (KT - 3, KT - 2, KT - 1):
            pltpu.make_async_copy(rows_v.at[t % 5], acc_s.at[dst_v.at[0]],
                                  ssem[t % 5]).wait()

    _edge_loop(hs2_hbm)

    plsc.subcore_barrier()

    noff = r0 - nbase
    biases = [bias_v[pl.ds(k * 16, 16)] for k in range(F2 // 16)]
    NP = RPT // CH

    pulls = [pltpu.async_copy(acc_s.at[pl.ds(r0 + p * CH, CH)],
                              rows_v.at[p], gsem[p]) for p in range(NP)]
    pushes = []
    for p in range(NP):
        pulls[p].wait()

        @pl.loop(0, CH)
        def _rows(r):
            ridx = jnp.zeros((16,), jnp.int32) + (noff + p * CH + r)
            nrm = plsc.load_gather(norm_v, [ridx])
            for k in range(F2 // 16):
                v = rows_v[p, r, pl.ds(k * 16, 16)]
                rows_v[p, r, pl.ds(k * 16, 16)] = v * nrm + biases[k]

        pushes.append(pltpu.async_copy(
            rows_v.at[p],
            out_hbm.at[pl.ds(r0 + p * CH, CH), pl.ds(c * F2, F2)], ssem[p]))
    for d in pushes:
        d.wait()


def kernel(feat, edge_index, weight, bias):
    src = edge_index[0]
    dst = edge_index[1]
    src2d = src.reshape(NS * KT, CH)
    dst2d = dst.reshape(NS * KT, CH)
    zeros = jnp.zeros((RPT, F2), jnp.float32)

    degp = _deg_kernel_fn()(src).reshape(NW, N)
    hs, norm3, srcx0, srcx1 = _matmul_norm(feat, weight, degp, src2d)
    hs2 = hs.reshape(2 * N, F2)
    norm_pad = jnp.concatenate(
        [norm3.reshape(N), jnp.zeros((640,), jnp.float32)])
    return _scatter_kernel_fn()(hs2, srcx0, srcx1, dst2d, zeros,
                                norm_pad, bias)

# --- scband reference (transcript-rebuilt; emitter-appended) ---
"""Pipeline reference for scband-graph-conv-9706626090092 (READ-ONLY COPY).

The authoritative reference and input builder live on the scoring server;
editing this copy changes nothing except your own understanding.
"""

import jax, jax.numpy as jnp
import numpy as np

N_NODES = 10000
N_EDGES = 320000
IN_FEATS = 128
OUT_FEATS = 128


def setup_inputs(seed: int = 0) -> dict:
    key = jax.random.key(seed)
    k1, k2, k3 = jax.random.split(key, 3)
    feat = jax.random.normal(k1, (N_NODES, IN_FEATS), dtype=jnp.float32)
    edge_index = jax.random.randint(k2, (2, N_EDGES), 0, N_NODES, dtype=jnp.int32)
    # xavier_uniform init for weight [in_feats, out_feats]
    limit = float(np.sqrt(6.0 / (IN_FEATS + OUT_FEATS)))
    weight = jax.random.uniform(k3, (IN_FEATS, OUT_FEATS), dtype=jnp.float32, minval=-limit, maxval=limit)
    bias = jnp.zeros((OUT_FEATS,), dtype=jnp.float32)
    return {"feat": feat, "edge_index": edge_index, "weight": weight, "bias": bias}


def reference(feat, edge_index, weight, bias):
    # GraphConv with norm='both' (faithful to the given code: out_degrees
    # used for both src and dst normalization).
    src = edge_index[0]
    dst = edge_index[1]
    n = feat.shape[0]
    # out-degree per node, clamped to min 1
    deg = jnp.zeros((n,), dtype=jnp.float32).at[src].add(1.0)
    deg = jnp.clip(deg, 1.0)
    norm = jnp.power(deg, -0.5)
    # feat = feat @ W, then normalize by src norm
    h = jnp.matmul(feat, weight)
    h = h * norm[:, None]
    # message passing: copy_src + sum at dst (scatter-add)
    agg = jnp.zeros((n, weight.shape[1]), dtype=h.dtype).at[dst].add(h[src])
    # dst normalization + bias
    rst = agg * norm[:, None]
    rst = rst + bias
    return rst

if __name__ == "__main__":
    import jax
    _d = setup_inputs()
    print(jax.jit(kernel)(*tuple(_d.values())))

</pallas_src>

<mosaic_0001>
#map = affine_map<(d0, d1) -> (0, 0)>
#map1 = affine_map<(d0, d1) -> (0)>
module attributes {stable_mosaic.version = 14 : i64} {
  func.func @_scatter_body(%arg0: i32, %arg1: i32, %arg2: memref<20000x64xf32, #tpu.memory_space<hbm>>, %arg3: memref<2560x125xi32, #tpu.memory_space<hbm>>, %arg4: memref<2560x125xi32, #tpu.memory_space<hbm>>, %arg5: memref<2560x125xi32, #tpu.memory_space<hbm>>, %arg6: memref<625x64xf32, #tpu.memory_space<hbm>>, %arg7: memref<10640xf32, #tpu.memory_space<hbm>>, %arg8: memref<128xf32, #tpu.memory_space<hbm>>, %arg9: memref<10000x128xf32, #tpu.memory_space<hbm>>, %arg10: memref<160x125xi32, #tpu.memory_space<vmem>>, %arg11: memref<160x125xi32, #tpu.memory_space<vmem>>, %arg12: memref<5x125x64xf32, #tpu.memory_space<vmem>>, %arg13: memref<640xf32, #tpu.memory_space<vmem>>, %arg14: memref<64xf32, #tpu.memory_space<vmem>>, %arg15: memref<10000x64xf32, #tpu.memory_space<vmem_shared>>, %arg16: memref<!tpu.dma_semaphore, #tpu.memory_space<semaphore_mem>>, %arg17: memref<!tpu.dma_semaphore, #tpu.memory_space<semaphore_mem>>, %arg18: memref<!tpu.dma_semaphore, #tpu.memory_space<semaphore_mem>>, %arg19: memref<!tpu.dma_semaphore, #tpu.memory_space<semaphore_mem>>, %arg20: memref<!tpu.dma_semaphore, #tpu.memory_space<semaphore_mem>>, %arg21: memref<!tpu.dma_semaphore, #tpu.memory_space<semaphore_mem>>, %arg22: memref<!tpu.dma_semaphore, #tpu.memory_space<semaphore_mem>>, %arg23: memref<!tpu.dma_semaphore, #tpu.memory_space<semaphore_mem>>, %arg24: memref<!tpu.dma_semaphore, #tpu.memory_space<semaphore_mem>>, %arg25: memref<!tpu.dma_semaphore, #tpu.memory_space<semaphore_mem>>) attributes {dimension_semantics = [#tpu.dimension_semantics<core_parallel>, #tpu.dimension_semantics<subcore_parallel>], iteration_bounds = array<i64: 2, 16>, scalar_prefetch = 0 : i64, scratch_operands = 16 : i64, tpu.core_type = #tpu.core_type<sc_vector_subcore>, window_params = [{transform_indices = #map}, {transform_indices = #map}, {transform_indices = #map}, {transform_indices = #map}, {transform_indices = #map}, {transform_indices = #map1}, {transform_indices = #map1}, {transform_indices = #map}]} {
    %mul3A = arith.constant 625 : i32
    %mul3A_0 = arith.muli %arg1, %mul3A : i32
    %jit3A = arith.constant 8 : i32
    %div3A = arith.divsi %mul3A_0, %jit3A : i32
    %sign3A = arith.constant 0 : i32
    %sign3A_1 = arith.cmpi sgt, %mul3A_0, %sign3A : i32
    %sign3A_2 = arith.extui %sign3A_1 : i1 to i32
    %sign3A_3 = arith.constant 0 : i32
    %sign3A_4 = arith.cmpi slt, %mul3A_0, %sign3A_3 : i32
    %sign3A_5 = arith.extui %sign3A_4 : i1 to i32
    %sign3A_6 = arith.subi %sign3A_2, %sign3A_5 : i32
    %sign3A_7 = arith.constant 0 : i32
    %sign3A_8 = arith.cmpi sgt, %jit3A, %sign3A_7 : i32
    %sign3A_9 = arith.extui %sign3A_8 : i1 to i32
    %sign3A_10 = arith.constant 0 : i32
    %sign3A_11 = arith.cmpi slt, %jit3A, %sign3A_10 : i32
    %sign3A_12 = arith.extui %sign3A_11 : i1 to i32
    %sign3A_13 = arith.subi %sign3A_9, %sign3A_12 : i32
    %ne3A = arith.cmpi ne, %sign3A_6, %sign3A_13 : i32
    %rem3A = arith.remsi %mul3A_0, %jit3A : i32
    %ne3A_14 = arith.constant 0 : i32
    %ne3A_15 = arith.cmpi ne, %rem3A, %ne3A_14 : i32
    %and3A = arith.andi %ne3A, %ne3A_15 : i1
    %sub3A = arith.constant 1 : i32
    %sub3A_16 = arith.subi %div3A, %sub3A : i32
    %select_n3A = arith.select %and3A, %sub3A_16, %div3A : i32
    %mul3A_17 = arith.constant 8 : i32
    %mul3A_18 = arith.muli %select_n3A, %mul3A_17 : i32
    %mul3A_19 = arith.constant 625 : i32
    %mul3A_20 = arith.muli %arg1, %mul3A_19 : i32
    %dma_start3A = arith.constant 0 : i32
    %dma_start3A_21 = tpu.memref_slice %arg15[%mul3A_20, %dma_start3A] : memref<10000x64xf32, #tpu.memory_space<vmem_shared>> -> memref<625x64xf32, #tpu.memory_space<vmem_shared>>
    tpu.enqueue_dma source(%arg6 : memref<625x64xf32, #tpu.memory_space<hbm>>) target(%dma_start3A_21 : memref<625x64xf32, #tpu.memory_space<vmem_shared>>) target_semaphore(%arg21 : memref<!tpu.dma_semaphore, #tpu.memory_space<semaphore_mem>>)
    %mul3A_22 = arith.constant 160 : i32
    %mul3A_23 = arith.muli %arg1, %mul3A_22 : i32
    %dma_start3A_24 = arith.constant 0 : i32
    %dma_start3A_25 = tpu.memref_slice %arg5[%mul3A_23, %dma_start3A_24] : memref<2560x125xi32, #tpu.memory_space<hbm>> -> memref<160x125xi32, #tpu.memory_space<hbm>>
    %dma_start3A_26 = arith.constant 0 : i32
    %dma_start3A_27 = tpu.memref_slice %arg5[%mul3A_23, %dma_start3A_26] : memref<2560x125xi32, #tpu.memory_space<hbm>> -> memref<160x125xi32, #tpu.memory_space<hbm>>
    tpu.enqueue_dma source(%dma_start3A_27 : memref<160x125xi32, #tpu.memory_space<hbm>>) target(%arg11 : memref<160x125xi32, #tpu.memory_space<vmem>>) target_semaphore(%arg17 : memref<!tpu.dma_semaphore, #tpu.memory_space<semaphore_mem>>)
    %dma_start3A_28 = tpu.memref_slice %arg7[%mul3A_18] : memref<10640xf32, #tpu.memory_space<hbm>> -> memref<640xf32, #tpu.memory_space<hbm>>
    %dma_start3A_29 = tpu.memref_slice %arg7[%mul3A_18] : memref<10640xf32, #tpu.memory_space<hbm>> -> memref<640xf32, #tpu.memory_space<hbm>>
    tpu.enqueue_dma source(%dma_start3A_29 : memref<640xf32, #tpu.memory_space<hbm>>) target(%arg13 : memref<640xf32, #tpu.memory_space<vmem>>) target_semaphore(%arg18 : memref<!tpu.dma_semaphore, #tpu.memory_space<semaphore_mem>>)
    %mul3A_30 = arith.constant 64 : i32
    %mul3A_31 = arith.muli %arg0, %mul3A_30 : i32
    %dma_start3A_32 = tpu.memref_slice %arg8[%mul3A_31] : memref<128xf32, #tpu.memory_space<hbm>> -> memref<64xf32, #tpu.memory_space<hbm>>
    %dma_start3A_33 = tpu.memref_slice %arg8[%mul3A_31] : memref<128xf32, #tpu.memory_space<hbm>> -> memref<64xf32, #tpu.memory_space<hbm>>
    tpu.enqueue_dma source(%dma_start3A_33 : memref<64xf32, #tpu.memory_space<hbm>>) target(%arg14 : memref<64xf32, #tpu.memory_space<vmem>>) target_semaphore(%arg19 : memref<!tpu.dma_semaphore, #tpu.memory_space<semaphore_mem>>)
    %eq3A = arith.constant 0 : i32
    %eq3A_34 = arith.cmpi eq, %arg0, %eq3A : i32
    %convert_element_type3A = arith.extui %eq3A_34 : i1 to i32
    %cond3A = arith.constant 0 : i32
    %cond3A_35 = arith.cmpi ne, %convert_element_type3A, %cond3A : i32
    scf.if %cond3A_35 {
      %mul3A_417 = arith.constant 160 : i32
      %mul3A_418 = arith.muli %arg1, %mul3A_417 : i32
      "tpu.region"() ({
        %run_scoped3A = tpu.sem_alloc : memref<!tpu.dma_semaphore, #tpu.memory_space<semaphore_mem>>
        %dma_start3A_419 = arith.constant 0 : i32
        %dma_start3A_420 = tpu.memref_slice %arg3[%mul3A_418, %dma_start3A_419] : memref<2560x125xi32, #tpu.memory_space<hbm>> -> memref<160x125xi32, #tpu.memory_space<hbm>>
        %dma_start3A_421 = arith.constant 0 : i32
        %dma_start3A_422 = tpu.memref_slice %arg3[%mul3A_418, %dma_start3A_421] : memref<2560x125xi32, #tpu.memory_space<hbm>> -> memref<160x125xi32, #tpu.memory_space<hbm>>
        tpu.enqueue_dma source(%dma_start3A_422 : memref<160x125xi32, #tpu.memory_space<hbm>>) target(%arg10 : memref<160x125xi32, #tpu.memory_space<vmem>>) target_semaphore(%run_scoped3A : memref<!tpu.dma_semaphore, #tpu.memory_space<semaphore_mem>>)
        %dma_wait3A_423 = arith.constant 0 : i32
        %dma_wait3A_424 = tpu.memref_slice %arg3[%mul3A_418, %dma_wait3A_423] : memref<2560x125xi32, #tpu.memory_space<hbm>> -> memref<160x125xi32, #tpu.memory_space<hbm>>
        %dma_wait3A_425 = arith.constant 0 : i32
        %dma_wait3A_426 = tpu.memref_slice %arg3[%mul3A_418, %dma_wait3A_425] : memref<2560x125xi32, #tpu.memory_space<hbm>> -> memref<160x125xi32, #tpu.memory_space<hbm>>
        tpu.wait_dma2 semaphore(%run_scoped3A : memref<!tpu.dma_semaphore, #tpu.memory_space<semaphore_mem>>) src(%dma_wait3A_426 : memref<160x125xi32, #tpu.memory_space<hbm>>) dst(%arg10 : memref<160x125xi32, #tpu.memory_space<vmem>>)
        tpu.yield
      }) : () -> ()
    } else {
    }
    %eq3A_36 = arith.constant 1 : i32
    %eq3A_37 = arith.cmpi eq, %arg0, %eq3A_36 : i32
    %convert_element_type3A_38 = arith.extui %eq3A_37 : i1 to i32
    %cond3A_39 = arith.constant 0 : i32
    %cond3A_40 = arith.cmpi ne, %convert_element_type3A_38, %cond3A_39 : i32
    scf.if %cond3A_40 {
      %mul3A_417 = arith.constant 160 : i32
      %mul3A_418 = arith.muli %arg1, %mul3A_417 : i32
      "tpu.region"() ({
        %run_scoped3A = tpu.sem_alloc : memref<!tpu.dma_semaphore, #tpu.memory_space<semaphore_mem>>
        %dma_start3A_419 = arith.constant 0 : i32
        %dma_start3A_420 = tpu.memref_slice %arg4[%mul3A_418, %dma_start3A_419] : memref<2560x125xi32, #tpu.memory_space<hbm>> -> memref<160x125xi32, #tpu.memory_space<hbm>>
        %dma_start3A_421 = arith.constant 0 : i32
        %dma_start3A_422 = tpu.memref_slice %arg4[%mul3A_418, %dma_start3A_421] : memref<2560x125xi32, #tpu.memory_space<hbm>> -> memref<160x125xi32, #tpu.memory_space<hbm>>
        tpu.enqueue_dma source(%dma_start3A_422 : memref<160x125xi32, #tpu.memory_space<hbm>>) target(%arg10 : memref<160x125xi32, #tpu.memory_space<vmem>>) target_semaphore(%run_scoped3A : memref<!tpu.dma_semaphore, #tpu.memory_space<semaphore_mem>>)
        %dma_wait3A_423 = arith.constant 0 : i32
        %dma_wait3A_424 = tpu.memref_slice %arg4[%mul3A_418, %dma_wait3A_423] : memref<2560x125xi32, #tpu.memory_space<hbm>> -> memref<160x125xi32, #tpu.memory_space<hbm>>
        %dma_wait3A_425 = arith.constant 0 : i32
        %dma_wait3A_426 = tpu.memref_slice %arg4[%mul3A_418, %dma_wait3A_425] : memref<2560x125xi32, #tpu.memory_space<hbm>> -> memref<160x125xi32, #tpu.memory_space<hbm>>
        tpu.wait_dma2 semaphore(%run_scoped3A : memref<!tpu.dma_semaphore, #tpu.memory_space<semaphore_mem>>) src(%dma_wait3A_426 : memref<160x125xi32, #tpu.memory_space<hbm>>) dst(%arg10 : memref<160x125xi32, #tpu.memory_space<vmem>>)
        tpu.yield
      }) : () -> ()
    } else {
    }
    %dma_wait3A = arith.constant 0 : i32
    %dma_wait3A_41 = tpu.memref_slice %arg15[%mul3A_20, %dma_wait3A] : memref<10000x64xf32, #tpu.memory_space<vmem_shared>> -> memref<625x64xf32, #tpu.memory_space<vmem_shared>>
    tpu.wait_dma2 semaphore(%arg21 : memref<!tpu.dma_semaphore, #tpu.memory_space<semaphore_mem>>) src(%arg6 : memref<625x64xf32, #tpu.memory_space<hbm>>) dst(%dma_wait3A_41 : memref<625x64xf32, #tpu.memory_space<vmem_shared>>)
    %dma_wait3A_42 = arith.constant 0 : i32
    %dma_wait3A_43 = tpu.memref_slice %arg5[%mul3A_23, %dma_wait3A_42] : memref<2560x125xi32, #tpu.memory_space<hbm>> -> memref<160x125xi32, #tpu.memory_space<hbm>>
    %dma_wait3A_44 = arith.constant 0 : i32
    %dma_wait3A_45 = tpu.memref_slice %arg5[%mul3A_23, %dma_wait3A_44] : memref<2560x125xi32, #tpu.memory_space<hbm>> -> memref<160x125xi32, #tpu.memory_space<hbm>>
    tpu.wait_dma2 semaphore(%arg17 : memref<!tpu.dma_semaphore, #tpu.memory_space<semaphore_mem>>) src(%dma_wait3A_45 : memref<160x125xi32, #tpu.memory_space<hbm>>) dst(%arg11 : memref<160x125xi32, #tpu.memory_space<vmem>>)
    %dma_wait3A_46 = tpu.memref_slice %arg7[%mul3A_18] : memref<10640xf32, #tpu.memory_space<hbm>> -> memref<640xf32, #tpu.memory_space<hbm>>
    %dma_wait3A_47 = tpu.memref_slice %arg7[%mul3A_18] : memref<10640xf32, #tpu.memory_space<hbm>> -> memref<640xf32, #tpu.memory_space<hbm>>
    tpu.wait_dma2 semaphore(%arg18 : memref<!tpu.dma_semaphore, #tpu.memory_space<semaphore_mem>>) src(%dma_wait3A_47 : memref<640xf32, #tpu.memory_space<hbm>>) dst(%arg13 : memref<640xf32, #tpu.memory_space<vmem>>)
    %dma_wait3A_48 = tpu.memref_slice %arg8[%mul3A_31] : memref<128xf32, #tpu.memory_space<hbm>> -> memref<64xf32, #tpu.memory_space<hbm>>
    %dma_wait3A_49 = tpu.memref_slice %arg8[%mul3A_31] : memref<128xf32, #tpu.memory_space<hbm>> -> memref<64xf32, #tpu.memory_space<hbm>>
    tpu.wait_dma2 semaphore(%arg19 : memref<!tpu.dma_semaphore, #tpu.memory_space<semaphore_mem>>) src(%dma_wait3A_49 : memref<64xf32, #tpu.memory_space<hbm>>) dst(%arg14 : memref<64xf32, #tpu.memory_space<vmem>>)
    %barrier3A = arith.constant 0 : index
    tpu.barrier barrier_id(%barrier3A)
    %dma_start3A_50 = arith.constant 0 : i32
    %dma_start3A_51 = arith.constant 0 : i32
    %dma_start3A_52 = arith.constant 0 : i32
    %dma_start3A_53 = arith.constant 0 : i32
    %dma_start3A_54 = tpu.memref_slice %arg12[%dma_start3A_51, %dma_start3A_52, %dma_start3A_53] : memref<5x125x64xf32, #tpu.memory_space<vmem>> -> memref<1x125x64xf32, #tpu.memory_space<vmem>>
    %dma_start3A_55 = tpu.memref_squeeze %dma_start3A_54 : memref<1x125x64xf32, #tpu.memory_space<vmem>> -> memref<125x64xf32, #tpu.memory_space<vmem>>
    %dma_start3A_56 = arith.constant 0 : i32
    %dma_start3A_57 = tpu.memref_slice %arg10[%dma_start3A_50, %dma_start3A_56] : memref<160x125xi32, #tpu.memory_space<vmem>> -> memref<1x125xi32, #tpu.memory_space<vmem>>
    %dma_start3A_58 = tpu.memref_squeeze %dma_start3A_57 : memref<1x125xi32, #tpu.memory_space<vmem>> -> memref<125xi32, #tpu.memory_space<vmem>>
    %dma_start3A_59 = arith.constant 0 : i32
    %dma_start3A_60 = arith.constant 0 : i32
    %dma_start3A_61 = tpu.memref_slice %arg2[%dma_start3A_59, %dma_start3A_60] : memref<20000x64xf32, #tpu.memory_space<hbm>> -> memref<20000x64xf32, #tpu.memory_space<hbm>>
    tpu.enqueue_indirect_dma source(%dma_start3A_61 : memref<20000x64xf32, #tpu.memory_space<hbm>>) target(%dma_start3A_55 : memref<125x64xf32, #tpu.memory_space<vmem>>) offsets(%dma_start3A_58 : memref<125xi32, #tpu.memory_space<vmem>>) semaphore(%arg16 : memref<!tpu.dma_semaphore, #tpu.memory_space<semaphore_mem>>)
    %dma_start3A_62 = arith.constant 1 : i32
    %dma_start3A_63 = arith.constant 1 : i32
    %dma_start3A_64 = arith.constant 0 : i32
    %dma_start3A_65 = arith.constant 0 : i32
    %dma_start3A_66 = tpu.memref_slice %arg12[%dma_start3A_63, %dma_start3A_64, %dma_start3A_65] : memref<5x125x64xf32, #tpu.memory_space<vmem>> -> memref<1x125x64xf32, #tpu.memory_space<vmem>>
    %dma_start3A_67 = tpu.memref_squeeze %dma_start3A_66 : memref<1x125x64xf32, #tpu.memory_space<vmem>> -> memref<125x64xf32, #tpu.memory_space<vmem>>
    %dma_start3A_68 = arith.constant 0 : i32
    %dma_start3A_69 = tpu.memref_slice %arg10[%dma_start3A_62, %dma_start3A_68] : memref<160x125xi32, #tpu.memory_space<vmem>> -> memref<1x125xi32, #tpu.memory_space<vmem>>
    %dma_start3A_70 = tpu.memref_squeeze %dma_start3A_69 : memref<1x125xi32, #tpu.memory_space<vmem>> -> memref<125xi32, #tpu.memory_space<vmem>>
    %dma_start3A_71 = arith.constant 0 : i32
    %dma_start3A_72 = arith.constant 0 : i32
    %dma_start3A_73 = tpu.memref_slice %arg2[%dma_start3A_71, %dma_start3A_72] : memref<20000x64xf32, #tpu.memory_space<hbm>> -> memref<20000x64xf32, #tpu.memory_space<hbm>>
    tpu.enqueue_indirect_dma source(%dma_start3A_73 : memref<20000x64xf32, #tpu.memory_space<hbm>>) target(%dma_start3A_67 : memref<125x64xf32, #tpu.memory_space<vmem>>) offsets(%dma_start3A_70 : memref<125xi32, #tpu.memory_space<vmem>>) semaphore(%arg17 : memref<!tpu.dma_semaphore, #tpu.memory_space<semaphore_mem>>)
    %scan3A = arith.constant 0 : i32
    %scan3A_74 = arith.constant 32 : i32
    %scan3A_75 = arith.addi %scan3A, %scan3A_74 : i32
    %scan3A_76 = arith.constant 1 : i32
    scf.for %scan3A_417 = %scan3A to %scan3A_75 step %scan3A_76  : i32 {
      %mul3A_418 = arith.constant 5 : i32
      %mul3A_419 = arith.muli %scan3A_417, %mul3A_418 : i32
      %add3A_420 = arith.constant 0 : i32
      %add3A_421 = arith.addi %add3A_420, %mul3A_419 : i32
      %add3A_422 = arith.constant 0 : i32
      %add3A_423 = arith.addi %add3A_421, %add3A_422 : i32
      %dma_wait3A_424 = arith.constant 0 : i32
      %dma_wait3A_425 = arith.constant 0 : i32
      %dma_wait3A_426 = arith.constant 0 : i32
      %dma_wait3A_427 = tpu.memref_slice %arg12[%dma_wait3A_424, %dma_wait3A_425, %dma_wait3A_426] : memref<5x125x64xf32, #tpu.memory_space<vmem>> -> memref<1x125x64xf32, #tpu.memory_space<vmem>>
      %dma_wait3A_428 = tpu.memref_squeeze %dma_wait3A_427 : memref<1x125x64xf32, #tpu.memory_space<vmem>> -> memref<125x64xf32, #tpu.memory_space<vmem>>
      %dma_wait3A_429 = arith.constant 0 : i32
      %dma_wait3A_430 = tpu.memref_slice %arg10[%add3A_423, %dma_wait3A_429] : memref<160x125xi32, #tpu.memory_space<vmem>> -> memref<1x125xi32, #tpu.memory_space<vmem>>
      %dma_wait3A_431 = tpu.memref_squeeze %dma_wait3A_430 : memref<1x125xi32, #tpu.memory_space<vmem>> -> memref<125xi32, #tpu.memory_space<vmem>>
      %dma_wait3A_432 = arith.constant 0 : i32
      %dma_wait3A_433 = arith.constant 0 : i32
      %dma_wait3A_434 = tpu.memref_slice %arg2[%dma_wait3A_432, %dma_wait3A_433] : memref<20000x64xf32, #tpu.memory_space<hbm>> -> memref<20000x64xf32, #tpu.memory_space<hbm>>
      tpu.wait_indirect_dma semaphore(%arg16 : memref<!tpu.dma_semaphore, #tpu.memory_space<semaphore_mem>>) src(%dma_wait3A_434 : memref<20000x64xf32, #tpu.memory_space<hbm>>) dst(%dma_wait3A_428 : memref<125x64xf32, #tpu.memory_space<vmem>>)
      %dma_start3A_435 = arith.constant 0 : i32
      %dma_start3A_436 = arith.constant 0 : i32
      %dma_start3A_437 = arith.constant 0 : i32
      %dma_start3A_438 = tpu.memref_slice %arg12[%dma_start3A_435, %dma_start3A_436, %dma_start3A_437] : memref<5x125x64xf32, #tpu.memory_space<vmem>> -> memref<1x125x64xf32, #tpu.memory_space<vmem>>
      %dma_start3A_439 = tpu.memref_squeeze %dma_start3A_438 : memref<1x125x64xf32, #tpu.memory_space<vmem>> -> memref<125x64xf32, #tpu.memory_space<vmem>>
      %dma_start3A_440 = arith.constant 0 : i32
      %dma_start3A_441 = tpu.memref_slice %arg11[%add3A_423, %dma_start3A_440] : memref<160x125xi32, #tpu.memory_space<vmem>> -> memref<1x125xi32, #tpu.memory_space<vmem>>
      %dma_start3A_442 = tpu.memref_squeeze %dma_start3A_441 : memref<1x125xi32, #tpu.memory_space<vmem>> -> memref<125xi32, #tpu.memory_space<vmem>>
      %dma_start3A_443 = arith.constant 0 : i32
      %dma_start3A_444 = arith.constant 0 : i32
      %dma_start3A_445 = tpu.memref_slice %arg15[%dma_start3A_443, %dma_start3A_444] : memref<10000x64xf32, #tpu.memory_space<vmem_shared>> -> memref<10000x64xf32, #tpu.memory_space<vmem_shared>>
      tpu.enqueue_indirect_dma source(%dma_start3A_439 : memref<125x64xf32, #tpu.memory_space<vmem>>) target(%dma_start3A_445 : memref<10000x64xf32, #tpu.memory_space<vmem_shared>>) offsets(%dma_start3A_442 : memref<125xi32, #tpu.memory_space<vmem>>) semaphore(%arg21 : memref<!tpu.dma_semaphore, #tpu.memory_space<semaphore_mem>>) {add = true}
      %ge3A = arith.constant 3 : i32
      %ge3A_446 = arith.cmpi sge, %add3A_423, %ge3A : i32
      %convert_element_type3A_447 = arith.extui %ge3A_446 : i1 to i32
      %cond3A_448 = arith.constant 0 : i32
      %cond3A_449 = arith.cmpi ne, %convert_element_type3A_447, %cond3A_448 : i32
      scf.if %cond3A_449 {
        %dma_wait3A_600 = arith.constant 2 : i32
        %dma_wait3A_601 = arith.constant 0 : i32
        %dma_wait3A_602 = arith.constant 0 : i32
        %dma_wait3A_603 = tpu.memref_slice %arg12[%dma_wait3A_600, %dma_wait3A_601, %dma_wait3A_602] : memref<5x125x64xf32, #tpu.memory_space<vmem>> -> memref<1x125x64xf32, #tpu.memory_space<vmem>>
        %dma_wait3A_604 = tpu.memref_squeeze %dma_wait3A_603 : memref<1x125x64xf32, #tpu.memory_space<vmem>> -> memref<125x64xf32, #tpu.memory_space<vmem>>
        %dma_wait3A_605 = arith.constant 0 : i32
        %dma_wait3A_606 = tpu.memref_slice %arg11[%add3A_423, %dma_wait3A_605] : memref<160x125xi32, #tpu.memory_space<vmem>> -> memref<1x125xi32, #tpu.memory_space<vmem>>
        %dma_wait3A_607 = tpu.memref_squeeze %dma_wait3A_606 : memref<1x125xi32, #tpu.memory_space<vmem>> -> memref<125xi32, #tpu.memory_space<vmem>>
        %dma_wait3A_608 = arith.constant 0 : i32
        %dma_wait3A_609 = arith.constant 0 : i32
        %dma_wait3A_610 = tpu.memref_slice %arg15[%dma_wait3A_608, %dma_wait3A_609] : memref<10000x64xf32, #tpu.memory_space<vmem_shared>> -> memref<10000x64xf32, #tpu.memory_space<vmem_shared>>
        tpu.wait_indirect_dma semaphore(%arg23 : memref<!tpu.dma_semaphore, #tpu.memory_space<semaphore_mem>>) src(%dma_wait3A_604 : memref<125x64xf32, #tpu.memory_space<vmem>>) dst(%dma_wait3A_610 : memref<10000x64xf32, #tpu.memory_space<vmem_shared>>)
      } else {
      }
      %add3A_450 = arith.constant 2 : i32
      %add3A_451 = arith.addi %add3A_423, %add3A_450 : i32
      %lt3A = arith.constant 160 : i32
      %lt3A_452 = arith.cmpi slt, %add3A_451, %lt3A : i32
      %convert_element_type3A_453 = arith.extui %lt3A_452 : i1 to i32
      %cond3A_454 = arith.constant 0 : i32
      %cond3A_455 = arith.cmpi ne, %convert_element_type3A_453, %cond3A_454 : i32
      scf.if %cond3A_455 {
        %add3A_600 = arith.constant 2 : i32
        %add3A_601 = arith.addi %add3A_423, %add3A_600 : i32
        %dma_start3A_602 = arith.constant 2 : i32
        %dma_start3A_603 = arith.constant 0 : i32
        %dma_start3A_604 = arith.constant 0 : i32
        %dma_start3A_605 = tpu.memref_slice %arg12[%dma_start3A_602, %dma_start3A_603, %dma_start3A_604] : memref<5x125x64xf32, #tpu.memory_space<vmem>> -> memref<1x125x64xf32, #tpu.memory_space<vmem>>
        %dma_start3A_606 = tpu.memref_squeeze %dma_start3A_605 : memref<1x125x64xf32, #tpu.memory_space<vmem>> -> memref<125x64xf32, #tpu.memory_space<vmem>>
        %dma_start3A_607 = arith.constant 0 : i32
        %dma_start3A_608 = tpu.memref_slice %arg10[%add3A_601, %dma_start3A_607] : memref<160x125xi32, #tpu.memory_space<vmem>> -> memref<1x125xi32, #tpu.memory_space<vmem>>
        %dma_start3A_609 = tpu.memref_squeeze %dma_start3A_608 : memref<1x125xi32, #tpu.memory_space<vmem>> -> memref<125xi32, #tpu.memory_space<vmem>>
        %dma_start3A_610 = arith.constant 0 : i32
        %dma_start3A_611 = arith.constant 0 : i32
        %dma_start3A_612 = tpu.memref_slice %arg2[%dma_start3A_610, %dma_start3A_611] : memref<20000x64xf32, #tpu.memory_space<hbm>> -> memref<20000x64xf32, #tpu.memory_space<hbm>>
        tpu.enqueue_indirect_dma source(%dma_start3A_612 : memref<20000x64xf32, #tpu.memory_space<hbm>>) target(%dma_start3A_606 : memref<125x64xf32, #tpu.memory_space<vmem>>) offsets(%dma_start3A_609 : memref<125xi32, #tpu.memory_space<vmem>>) semaphore(%arg18 : memref<!tpu.dma_semaphore, #tpu.memory_space<semaphore_mem>>)
      } else {
      }
      %add3A_456 = arith.constant 1 : i32
      %add3A_457 = arith.addi %add3A_421, %add3A_456 : i32
      %dma_wait3A_458 = arith.constant 1 : i32
      %dma_wait3A_459 = arith.constant 0 : i32
      %dma_wait3A_460 = arith.constant 0 : i32
      %dma_wait3A_461 = tpu.memref_slice %arg12[%dma_wait3A_458, %dma_wait3A_459, %dma_wait3A_460] : memref<5x125x64xf32, #tpu.memory_space<vmem>> -> memref<1x125x64xf32, #tpu.memory_space<vmem>>
      %dma_wait3A_462 = tpu.memref_squeeze %dma_wait3A_461 : memref<1x125x64xf32, #tpu.memory_space<vmem>> -> memref<125x64xf32, #tpu.memory_space<vmem>>
      %dma_wait3A_463 = arith.constant 0 : i32
      %dma_wait3A_464 = tpu.memref_slice %arg10[%add3A_457, %dma_wait3A_463] : memref<160x125xi32, #tpu.memory_space<vmem>> -> memref<1x125xi32, #tpu.memory_space<vmem>>
      %dma_wait3A_465 = tpu.memref_squeeze %dma_wait3A_464 : memref<1x125xi32, #tpu.memory_space<vmem>> -> memref<125xi32, #tpu.memory_space<vmem>>
      %dma_wait3A_466 = arith.constant 0 : i32
      %dma_wait3A_467 = arith.constant 0 : i32
      %dma_wait3A_468 = tpu.memref_slice %arg2[%dma_wait3A_466, %dma_wait3A_467] : memref<20000x64xf32, #tpu.memory_space<hbm>> -> memref<20000x64xf32, #tpu.memory_space<hbm>>
      tpu.wait_indirect_dma semaphore(%arg17 : memref<!tpu.dma_semaphore, #tpu.memory_space<semaphore_mem>>) src(%dma_wait3A_468 : memref<20000x64xf32, #tpu.memory_space<hbm>>) dst(%dma_wait3A_462 : memref<125x64xf32, #tpu.memory_space<vmem>>)
      %dma_start3A_469 = arith.constant 1 : i32
      %dma_start3A_470 = arith.constant 0 : i32
      %dma_start3A_471 = arith.constant 0 : i32
      %dma_start3A_472 = tpu.memref_slice %arg12[%dma_start3A_469, %dma_start3A_470, %dma_start3A_471] : memref<5x125x64xf32, #tpu.memory_space<vmem>> -> memref<1x125x64xf32, #tpu.memory_space<vmem>>
      %dma_start3A_473 = tpu.memref_squeeze %dma_start3A_472 : memref<1x125x64xf32, #tpu.memory_space<vmem>> -> memref<125x64xf32, #tpu.memory_space<vmem>>
      %dma_start3A_474 = arith.constant 0 : i32
      %dma_start3A_475 = tpu.memref_slice %arg11[%add3A_457, %dma_start3A_474] : memref<160x125xi32, #tpu.memory_space<vmem>> -> memref<1x125xi32, #tpu.memory_space<vmem>>
      %dma_start3A_476 = tpu.memref_squeeze %dma_start3A_475 : memref<1x125xi32, #tpu.memory_space<vmem>> -> memref<125xi32, #tpu.memory_space<vmem>>
      %dma_start3A_477 = arith.constant 0 : i32
      %dma_start3A_478 = arith.constant 0 : i32
      %dma_start3A_479 = tpu.memref_slice %arg15[%dma_start3A_477, %dma_start3A_478] : memref<10000x64xf32, #tpu.memory_space<vmem_shared>> -> memref<10000x64xf32, #tpu.memory_space<vmem_shared>>
      tpu.enqueue_indirect_dma source(%dma_start3A_473 : memref<125x64xf32, #tpu.memory_space<vmem>>) target(%dma_start3A_479 : memref<10000x64xf32, #tpu.memory_space<vmem_shared>>) offsets(%dma_start3A_476 : memref<125xi32, #tpu.memory_space<vmem>>) semaphore(%arg22 : memref<!tpu.dma_semaphore, #tpu.memory_space<semaphore_mem>>) {add = true}
      %ge3A_480 = arith.constant 3 : i32
      %ge3A_481 = arith.cmpi sge, %add3A_457, %ge3A_480 : i32
      %convert_element_type3A_482 = arith.extui %ge3A_481 : i1 to i32
      %cond3A_483 = arith.constant 0 : i32
      %cond3A_484 = arith.cmpi ne, %convert_element_type3A_482, %cond3A_483 : i32
      scf.if %cond3A_484 {
        %dma_wait3A_600 = arith.constant 3 : i32
        %dma_wait3A_601 = arith.constant 0 : i32
        %dma_wait3A_602 = arith.constant 0 : i32
        %dma_wait3A_603 = tpu.memref_slice %arg12[%dma_wait3A_600, %dma_wait3A_601, %dma_wait3A_602] : memref<5x125x64xf32, #tpu.memory_space<vmem>> -> memref<1x125x64xf32, #tpu.memory_space<vmem>>
        %dma_wait3A_604 = tpu.memref_squeeze %dma_wait3A_603 : memref<1x125x64xf32, #tpu.memory_space<vmem>> -> memref<125x64xf32, #tpu.memory_space<vmem>>
        %dma_wait3A_605 = arith.constant 0 : i32
        %dma_wait3A_606 = tpu.memref_slice %arg11[%add3A_457, %dma_wait3A_605] : memref<160x125xi32, #tpu.memory_space<vmem>> -> memref<1x125xi32, #tpu.memory_space<vmem>>
        %dma_wait3A_607 = tpu.memref_squeeze %dma_wait3A_606 : memref<1x125xi32, #tpu.memory_space<vmem>> -> memref<125xi32, #tpu.memory_space<vmem>>
        %dma_wait3A_608 = arith.constant 0 : i32
        %dma_wait3A_609 = arith.constant 0 : i32
        %dma_wait3A_610 = tpu.memref_slice %arg15[%dma_wait3A_608, %dma_wait3A_609] : memref<10000x64xf32, #tpu.memory_space<vmem_shared>> -> memref<10000x64xf32, #tpu.memory_space<vmem_shared>>
        tpu.wait_indirect_dma semaphore(%arg24 : memref<!tpu.dma_semaphore, #tpu.memory_space<semaphore_mem>>) src(%dma_wait3A_604 : memref<125x64xf32, #tpu.memory_space<vmem>>) dst(%dma_wait3A_610 : memref<10000x64xf32, #tpu.memory_space<vmem_shared>>)
      } else {
      }
      %add3A_485 = arith.constant 2 : i32
      %add3A_486 = arith.addi %add3A_457, %add3A_485 : i32
      %lt3A_487 = arith.constant 160 : i32
      %lt3A_488 = arith.cmpi slt, %add3A_486, %lt3A_487 : i32
      %convert_element_type3A_489 = arith.extui %lt3A_488 : i1 to i32
      %cond3A_490 = arith.constant 0 : i32
      %cond3A_491 = arith.cmpi ne, %convert_element_type3A_489, %cond3A_490 : i32
      scf.if %cond3A_491 {
        %add3A_600 = arith.constant 2 : i32
        %add3A_601 = arith.addi %add3A_457, %add3A_600 : i32
        %dma_start3A_602 = arith.constant 3 : i32
        %dma_start3A_603 = arith.constant 0 : i32
        %dma_start3A_604 = arith.constant 0 : i32
        %dma_start3A_605 = tpu.memref_slice %arg12[%dma_start3A_602, %dma_start3A_603, %dma_start3A_604] : memref<5x125x64xf32, #tpu.memory_space<vmem>> -> memref<1x125x64xf32, #tpu.memory_space<vmem>>
        %dma_start3A_606 = tpu.memref_squeeze %dma_start3A_605 : memref<1x125x64xf32, #tpu.memory_space<vmem>> -> memref<125x64xf32, #tpu.memory_space<vmem>>
        %dma_start3A_607 = arith.constant 0 : i32
        %dma_start3A_608 = tpu.memref_slice %arg10[%add3A_601, %dma_start3A_607] : memref<160x125xi32, #tpu.memory_space<vmem>> -> memref<1x125xi32, #tpu.memory_space<vmem>>
        %dma_start3A_609 = tpu.memref_squeeze %dma_start3A_608 : memref<1x125xi32, #tpu.memory_space<vmem>> -> memref<125xi32, #tpu.memory_space<vmem>>
        %dma_start3A_610 = arith.constant 0 : i32
        %dma_start3A_611 = arith.constant 0 : i32
        %dma_start3A_612 = tpu.memref_slice %arg2[%dma_start3A_610, %dma_start3A_611] : memref<20000x64xf32, #tpu.memory_space<hbm>> -> memref<20000x64xf32, #tpu.memory_space<hbm>>
        tpu.enqueue_indirect_dma source(%dma_start3A_612 : memref<20000x64xf32, #tpu.memory_space<hbm>>) target(%dma_start3A_606 : memref<125x64xf32, #tpu.memory_space<vmem>>) offsets(%dma_start3A_609 : memref<125xi32, #tpu.memory_space<vmem>>) semaphore(%arg19 : memref<!tpu.dma_semaphore, #tpu.memory_space<semaphore_mem>>)
      } else {
      }
      %add3A_492 = arith.constant 2 : i32
      %add3A_493 = arith.addi %add3A_421, %add3A_492 : i32
      %dma_wait3A_494 = arith.constant 2 : i32
      %dma_wait3A_495 = arith.constant 0 : i32
      %dma_wait3A_496 = arith.constant 0 : i32
      %dma_wait3A_497 = tpu.memref_slice %arg12[%dma_wait3A_494, %dma_wait3A_495, %dma_wait3A_496] : memref<5x125x64xf32, #tpu.memory_space<vmem>> -> memref<1x125x64xf32, #tpu.memory_space<vmem>>
      %dma_wait3A_498 = tpu.memref_squeeze %dma_wait3A_497 : memref<1x125x64xf32, #tpu.memory_space<vmem>> -> memref<125x64xf32, #tpu.memory_space<vmem>>
      %dma_wait3A_499 = arith.constant 0 : i32
      %dma_wait3A_500 = tpu.memref_slice %arg10[%add3A_493, %dma_wait3A_499] : memref<160x125xi32, #tpu.memory_space<vmem>> -> memref<1x125xi32, #tpu.memory_space<vmem>>
      %dma_wait3A_501 = tpu.memref_squeeze %dma_wait3A_500 : memref<1x125xi32, #tpu.memory_space<vmem>> -> memref<125xi32, #tpu.memory_space<vmem>>
      %dma_wait3A_502 = arith.constant 0 : i32
      %dma_wait3A_503 = arith.constant 0 : i32
      %dma_wait3A_504 = tpu.memref_slice %arg2[%dma_wait3A_502, %dma_wait3A_503] : memref<20000x64xf32, #tpu.memory_space<hbm>> -> memref<20000x64xf32, #tpu.memory_space<hbm>>
      tpu.wait_indirect_dma semaphore(%arg18 : memref<!tpu.dma_semaphore, #tpu.memory_space<semaphore_mem>>) src(%dma_wait3A_504 : memref<20000x64xf32, #tpu.memory_space<hbm>>) dst(%dma_wait3A_498 : memref<125x64xf32, #tpu.memory_space<vmem>>)
      %dma_start3A_505 = arith.constant 2 : i32
      %dma_start3A_506 = arith.constant 0 : i32
      %dma_start3A_507 = arith.constant 0 : i32
      %dma_start3A_508 = tpu.memref_slice %arg12[%dma_start3A_505, %dma_start3A_506, %dma_start3A_507] : memref<5x125x64xf32, #tpu.memory_space<vmem>> -> memref<1x125x64xf32, #tpu.memory_space<vmem>>
      %dma_start3A_509 = tpu.memref_squeeze %dma_start3A_508 : memref<1x125x64xf32, #tpu.memory_space<vmem>> -> memref<125x64xf32, #tpu.memory_space<vmem>>
      %dma_start3A_510 = arith.constant 0 : i32
      %dma_start3A_511 = tpu.memref_slice %arg11[%add3A_493, %dma_start3A_510] : memref<160x125xi32, #tpu.memory_space<vmem>> -> memref<1x125xi32, #tpu.memory_space<vmem>>
      %dma_start3A_512 = tpu.memref_squeeze %dma_start3A_511 : memref<1x125xi32, #tpu.memory_space<vmem>> -> memref<125xi32, #tpu.memory_space<vmem>>
      %dma_start3A_513 = arith.constant 0 : i32
      %dma_start3A_514 = arith.constant 0 : i32
      %dma_start3A_515 = tpu.memref_slice %arg15[%dma_start3A_513, %dma_start3A_514] : memref<10000x64xf32, #tpu.memory_space<vmem_shared>> -> memref<10000x64xf32, #tpu.memory_space<vmem_shared>>
      tpu.enqueue_indirect_dma source(%dma_start3A_509 : memref<125x64xf32, #tpu.memory_space<vmem>>) target(%dma_start3A_515 : memref<10000x64xf32, #tpu.memory_space<vmem_shared>>) offsets(%dma_start3A_512 : memref<125xi32, #tpu.memory_space<vmem>>) semaphore(%arg23 : memref<!tpu.dma_semaphore, #tpu.memory_space<semaphore_mem>>) {add = true}
      %ge3A_516 = arith.constant 3 : i32
      %ge3A_517 = arith.cmpi sge, %add3A_493, %ge3A_516 : i32
      %convert_element_type3A_518 = arith.extui %ge3A_517 : i1 to i32
      %cond3A_519 = arith.constant 0 : i32
      %cond3A_520 = arith.cmpi ne, %convert_element_type3A_518, %cond3A_519 : i32
      scf.if %cond3A_520 {
        %dma_wait3A_600 = arith.constant 4 : i32
        %dma_wait3A_601 = arith.constant 0 : i32
        %dma_wait3A_602 = arith.constant 0 : i32
        %dma_wait3A_603 = tpu.memref_slice %arg12[%dma_wait3A_600, %dma_wait3A_601, %dma_wait3A_602] : memref<5x125x64xf32, #tpu.memory_space<vmem>> -> memref<1x125x64xf32, #tpu.memory_space<vmem>>
        %dma_wait3A_604 = tpu.memref_squeeze %dma_wait3A_603 : memref<1x125x64xf32, #tpu.memory_space<vmem>> -> memref<125x64xf32, #tpu.memory_space<vmem>>
        %dma_wait3A_605 = arith.constant 0 : i32
        %dma_wait3A_606 = tpu.memref_slice %arg11[%add3A_493, %dma_wait3A_605] : memref<160x125xi32, #tpu.memory_space<vmem>> -> memref<1x125xi32, #tpu.memory_space<vmem>>
        %dma_wait3A_607 = tpu.memref_squeeze %dma_wait3A_606 : memref<1x125xi32, #tpu.memory_space<vmem>> -> memref<125xi32, #tpu.memory_space<vmem>>
        %dma_wait3A_608 = arith.constant 0 : i32
        %dma_wait3A_609 = arith.constant 0 : i32
        %dma_wait3A_610 = tpu.memref_slice %arg15[%dma_wait3A_608, %dma_wait3A_609] : memref<10000x64xf32, #tpu.memory_space<vmem_shared>> -> memref<10000x64xf32, #tpu.memory_space<vmem_shared>>
        tpu.wait_indirect_dma semaphore(%arg25 : memref<!tpu.dma_semaphore, #tpu.memory_space<semaphore_mem>>) src(%dma_wait3A_604 : memref<125x64xf32, #tpu.memory_space<vmem>>) dst(%dma_wait3A_610 : memref<10000x64xf32, #tpu.memory_space<vmem_shared>>)
      } else {
      }
      %add3A_521 = arith.constant 2 : i32
      %add3A_522 = arith.addi %add3A_493, %add3A_521 : i32
      %lt3A_523 = arith.constant 160 : i32
      %lt3A_524 = arith.cmpi slt, %add3A_522, %lt3A_523 : i32
      %convert_element_type3A_525 = arith.extui %lt3A_524 : i1 to i32
      %cond3A_526 = arith.constant 0 : i32
      %cond3A_527 = arith.cmpi ne, %convert_element_type3A_525, %cond3A_526 : i32
      scf.if %cond3A_527 {
        %add3A_600 = arith.constant 2 : i32
        %add3A_601 = arith.addi %add3A_493, %add3A_600 : i32
        %dma_start3A_602 = arith.constant 4 : i32
        %dma_start3A_603 = arith.constant 0 : i32
        %dma_start3A_604 = arith.constant 0 : i32
        %dma_start3A_605 = tpu.memref_slice %arg12[%dma_start3A_602, %dma_start3A_603, %dma_start3A_604] : memref<5x125x64xf32, #tpu.memory_space<vmem>> -> memref<1x125x64xf32, #tpu.memory_space<vmem>>
        %dma_start3A_606 = tpu.memref_squeeze %dma_start3A_605 : memref<1x125x64xf32, #tpu.memory_space<vmem>> -> memref<125x64xf32, #tpu.memory_space<vmem>>
        %dma_start3A_607 = arith.constant 0 : i32
        %dma_start3A_608 = tpu.memref_slice %arg10[%add3A_601, %dma_start3A_607] : memref<160x125xi32, #tpu.memory_space<vmem>> -> memref<1x125xi32, #tpu.memory_space<vmem>>
        %dma_start3A_609 = tpu.memref_squeeze %dma_start3A_608 : memref<1x125xi32, #tpu.memory_space<vmem>> -> memref<125xi32, #tpu.memory_space<vmem>>
        %dma_start3A_610 = arith.constant 0 : i32
        %dma_start3A_611 = arith.constant 0 : i32
        %dma_start3A_612 = tpu.memref_slice %arg2[%dma_start3A_610, %dma_start3A_611] : memref<20000x64xf32, #tpu.memory_space<hbm>> -> memref<20000x64xf32, #tpu.memory_space<hbm>>
        tpu.enqueue_indirect_dma source(%dma_start3A_612 : memref<20000x64xf32, #tpu.memory_space<hbm>>) target(%dma_start3A_606 : memref<125x64xf32, #tpu.memory_space<vmem>>) offsets(%dma_start3A_609 : memref<125xi32, #tpu.memory_space<vmem>>) semaphore(%arg20 : memref<!tpu.dma_semaphore, #tpu.memory_space<semaphore_mem>>)
      } else {
      }
      %add3A_528 = arith.constant 3 : i32
      %add3A_529 = arith.addi %add3A_421, %add3A_528 : i32
      %dma_wait3A_530 = arith.constant 3 : i32
      %dma_wait3A_531 = arith.constant 0 : i32
      %dma_wait3A_532 = arith.constant 0 : i32
      %dma_wait3A_533 = tpu.memref_slice %arg12[%dma_wait3A_530, %dma_wait3A_531, %dma_wait3A_532] : memref<5x125x64xf32, #tpu.memory_space<vmem>> -> memref<1x125x64xf32, #tpu.memory_space<vmem>>
      %dma_wait3A_534 = tpu.memref_squeeze %dma_wait3A_533 : memref<1x125x64xf32, #tpu.memory_space<vmem>> -> memref<125x64xf32, #tpu.memory_space<vmem>>
      %dma_wait3A_535 = arith.constant 0 : i32
      %dma_wait3A_536 = tpu.memref_slice %arg10[%add3A_529, %dma_wait3A_535] : memref<160x125xi32, #tpu.memory_space<vmem>> -> memref<1x125xi32, #tpu.memory_space<vmem>>
      %dma_wait3A_537 = tpu.memref_squeeze %dma_wait3A_536 : memref<1x125xi32, #tpu.memory_space<vmem>> -> memref<125xi32, #tpu.memory_space<vmem>>
      %dma_wait3A_538 = arith.constant 0 : i32
      %dma_wait3A_539 = arith.constant 0 : i32
      %dma_wait3A_540 = tpu.memref_slice %arg2[%dma_wait3A_538, %dma_wait3A_539] : memref<20000x64xf32, #tpu.memory_space<hbm>> -> memref<20000x64xf32, #tpu.memory_space<hbm>>
      tpu.wait_indirect_dma semaphore(%arg19 : memref<!tpu.dma_semaphore, #tpu.memory_space<semaphore_mem>>) src(%dma_wait3A_540 : memref<20000x64xf32, #tpu.memory_space<hbm>>) dst(%dma_wait3A_534 : memref<125x64xf32, #tpu.memory_space<vmem>>)
      %dma_start3A_541 = arith.constant 3 : i32
      %dma_start3A_542 = arith.constant 0 : i32
      %dma_start3A_543 = arith.constant 0 : i32
      %dma_start3A_544 = tpu.memref_slice %arg12[%dma_start3A_541, %dma_start3A_542, %dma_start3A_543] : memref<5x125x64xf32, #tpu.memory_space<vmem>> -> memref<1x125x64xf32, #tpu.memory_space<vmem>>
      %dma_start3A_545 = tpu.memref_squeeze %dma_start3A_544 : memref<1x125x64xf32, #tpu.memory_space<vmem>> -> memref<125x64xf32, #tpu.memory_space<vmem>>
      %dma_start3A_546 = arith.constant 0 : i32
      %dma_start3A_547 = tpu.memref_slice %arg11[%add3A_529, %dma_start3A_546] : memref<160x125xi32, #tpu.memory_space<vmem>> -> memref<1x125xi32, #tpu.memory_space<vmem>>
      %dma_start3A_548 = tpu.memref_squeeze %dma_start3A_547 : memref<1x125xi32, #tpu.memory_space<vmem>> -> memref<125xi32, #tpu.memory_space<vmem>>
      %dma_start3A_549 = arith.constant 0 : i32
      %dma_start3A_550 = arith.constant 0 : i32
      %dma_start3A_551 = tpu.memref_slice %arg15[%dma_start3A_549, %dma_start3A_550] : memref<10000x64xf32, #tpu.memory_space<vmem_shared>> -> memref<10000x64xf32, #tpu.memory_space<vmem_shared>>
      tpu.enqueue_indirect_dma source(%dma_start3A_545 : memref<125x64xf32, #tpu.memory_space<vmem>>) target(%dma_start3A_551 : memref<10000x64xf32, #tpu.memory_space<vmem_shared>>) offsets(%dma_start3A_548 : memref<125xi32, #tpu.memory_space<vmem>>) semaphore(%arg24 : memref<!tpu.dma_semaphore, #tpu.memory_space<semaphore_mem>>) {add = true}
      %ge3A_552 = arith.constant 3 : i32
      %ge3A_553 = arith.cmpi sge, %add3A_529, %ge3A_552 : i32
      %convert_element_type3A_554 = arith.extui %ge3A_553 : i1 to i32
      %cond3A_555 = arith.constant 0 : i32
      %cond3A_556 = arith.cmpi ne, %convert_element_type3A_554, %cond3A_555 : i32
      scf.if %cond3A_556 {
        %dma_wait3A_600 = arith.constant 0 : i32
        %dma_wait3A_601 = arith.constant 0 : i32
        %dma_wait3A_602 = arith.constant 0 : i32
        %dma_wait3A_603 = tpu.memref_slice %arg12[%dma_wait3A_600, %dma_wait3A_601, %dma_wait3A_602] : memref<5x125x64xf32, #tpu.memory_space<vmem>> -> memref<1x125x64xf32, #tpu.memory_space<vmem>>
        %dma_wait3A_604 = tpu.memref_squeeze %dma_wait3A_603 : memref<1x125x64xf32, #tpu.memory_space<vmem>> -> memref<125x64xf32, #tpu.memory_space<vmem>>
        %dma_wait3A_605 = arith.constant 0 : i32
        %dma_wait3A_606 = tpu.memref_slice %arg11[%add3A_529, %dma_wait3A_605] : memref<160x125xi32, #tpu.memory_space<vmem>> -> memref<1x125xi32, #tpu.memory_space<vmem>>
        %dma_wait3A_607 = tpu.memref_squeeze %dma_wait3A_606 : memref<1x125xi32, #tpu.memory_space<vmem>> -> memref<125xi32, #tpu.memory_space<vmem>>
        %dma_wait3A_608 = arith.constant 0 : i32
        %dma_wait3A_609 = arith.constant 0 : i32
        %dma_wait3A_610 = tpu.memref_slice %arg15[%dma_wait3A_608, %dma_wait3A_609] : memref<10000x64xf32, #tpu.memory_space<vmem_shared>> -> memref<10000x64xf32, #tpu.memory_space<vmem_shared>>
        tpu.wait_indirect_dma semaphore(%arg21 : memref<!tpu.dma_semaphore, #tpu.memory_space<semaphore_mem>>) src(%dma_wait3A_604 : memref<125x64xf32, #tpu.memory_space<vmem>>) dst(%dma_wait3A_610 : memref<10000x64xf32, #tpu.memory_space<vmem_shared>>)
      } else {
      }
      %add3A_557 = arith.constant 2 : i32
      %add3A_558 = arith.addi %add3A_529, %add3A_557 : i32
      %lt3A_559 = arith.constant 160 : i32
      %lt3A_560 = arith.cmpi slt, %add3A_558, %lt3A_559 : i32
      %convert_element_type3A_561 = arith.extui %lt3A_560 : i1 to i32
      %cond3A_562 = arith.constant 0 : i32
      %cond3A_563 = arith.cmpi ne, %convert_element_type3A_561, %cond3A_562 : i32
      scf.if %cond3A_563 {
        %add3A_600 = arith.constant 2 : i32
        %add3A_601 = arith.addi %add3A_529, %add3A_600 : i32
        %dma_start3A_602 = arith.constant 0 : i32
        %dma_start3A_603 = arith.constant 0 : i32
        %dma_start3A_604 = arith.constant 0 : i32
        %dma_start3A_605 = tpu.memref_slice %arg12[%dma_start3A_602, %dma_start3A_603, %dma_start3A_604] : memref<5x125x64xf32, #tpu.memory_space<vmem>> -> memref<1x125x64xf32, #tpu.memory_space<vmem>>
        %dma_start3A_606 = tpu.memref_squeeze %dma_start3A_605 : memref<1x125x64xf32, #tpu.memory_space<vmem>> -> memref<125x64xf32, #tpu.memory_space<vmem>>
        %dma_start3A_607 = arith.constant 0 : i32
        %dma_start3A_608 = tpu.memref_slice %arg10[%add3A_601, %dma_start3A_607] : memref<160x125xi32, #tpu.memory_space<vmem>> -> memref<1x125xi32, #tpu.memory_space<vmem>>
        %dma_start3A_609 = tpu.memref_squeeze %dma_start3A_608 : memref<1x125xi32, #tpu.memory_space<vmem>> -> memref<125xi32, #tpu.memory_space<vmem>>
        %dma_start3A_610 = arith.constant 0 : i32
        %dma_start3A_611 = arith.constant 0 : i32
        %dma_start3A_612 = tpu.memref_slice %arg2[%dma_start3A_610, %dma_start3A_611] : memref<20000x64xf32, #tpu.memory_space<hbm>> -> memref<20000x64xf32, #tpu.memory_space<hbm>>
        tpu.enqueue_indirect_dma source(%dma_start3A_612 : memref<20000x64xf32, #tpu.memory_space<hbm>>) target(%dma_start3A_606 : memref<125x64xf32, #tpu.memory_space<vmem>>) offsets(%dma_start3A_609 : memref<125xi32, #tpu.memory_space<vmem>>) semaphore(%arg16 : memref<!tpu.dma_semaphore, #tpu.memory_space<semaphore_mem>>)
      } else {
      }
      %add3A_564 = arith.constant 4 : i32
      %add3A_565 = arith.addi %add3A_421, %add3A_564 : i32
      %dma_wait3A_566 = arith.constant 4 : i32
      %dma_wait3A_567 = arith.constant 0 : i32
      %dma_wait3A_568 = arith.constant 0 : i32
      %dma_wait3A_569 = tpu.memref_slice %arg12[%dma_wait3A_566, %dma_wait3A_567, %dma_wait3A_568] : memref<5x125x64xf32, #tpu.memory_space<vmem>> -> memref<1x125x64xf32, #tpu.memory_space<vmem>>
      %dma_wait3A_570 = tpu.memref_squeeze %dma_wait3A_569 : memref<1x125x64xf32, #tpu.memory_space<vmem>> -> memref<125x64xf32, #tpu.memory_space<vmem>>
      %dma_wait3A_571 = arith.constant 0 : i32
      %dma_wait3A_572 = tpu.memref_slice %arg10[%add3A_565, %dma_wait3A_571] : memref<160x125xi32, #tpu.memory_space<vmem>> -> memref<1x125xi32, #tpu.memory_space<vmem>>
      %dma_wait3A_573 = tpu.memref_squeeze %dma_wait3A_572 : memref<1x125xi32, #tpu.memory_space<vmem>> -> memref<125xi32, #tpu.memory_space<vmem>>
      %dma_wait3A_574 = arith.constant 0 : i32
      %dma_wait3A_575 = arith.constant 0 : i32
      %dma_wait3A_576 = tpu.memref_slice %arg2[%dma_wait3A_574, %dma_wait3A_575] : memref<20000x64xf32, #tpu.memory_space<hbm>> -> memref<20000x64xf32, #tpu.memory_space<hbm>>
      tpu.wait_indirect_dma semaphore(%arg20 : memref<!tpu.dma_semaphore, #tpu.memory_space<semaphore_mem>>) src(%dma_wait3A_576 : memref<20000x64xf32, #tpu.memory_space<hbm>>) dst(%dma_wait3A_570 : memref<125x64xf32, #tpu.memory_space<vmem>>)
      %dma_start3A_577 = arith.constant 4 : i32
      %dma_start3A_578 = arith.constant 0 : i32
      %dma_start3A_579 = arith.constant 0 : i32
      %dma_start3A_580 = tpu.memref_slice %arg12[%dma_start3A_577, %dma_start3A_578, %dma_start3A_579] : memref<5x125x64xf32, #tpu.memory_space<vmem>> -> memref<1x125x64xf32, #tpu.memory_space<vmem>>
      %dma_start3A_581 = tpu.memref_squeeze %dma_start3A_580 : memref<1x125x64xf32, #tpu.memory_space<vmem>> -> memref<125x64xf32, #tpu.memory_space<vmem>>
      %dma_start3A_582 = arith.constant 0 : i32
      %dma_start3A_583 = tpu.memref_slice %arg11[%add3A_565, %dma_start3A_582] : memref<160x125xi32, #tpu.memory_space<vmem>> -> memref<1x125xi32, #tpu.memory_space<vmem>>
      %dma_start3A_584 = tpu.memref_squeeze %dma_start3A_583 : memref<1x125xi32, #tpu.memory_space<vmem>> -> memref<125xi32, #tpu.memory_space<vmem>>
      %dma_start3A_585 = arith.constant 0 : i32
      %dma_start3A_586 = arith.constant 0 : i32
      %dma_start3A_587 = tpu.memref_slice %arg15[%dma_start3A_585, %dma_start3A_586] : memref<10000x64xf32, #tpu.memory_space<vmem_shared>> -> memref<10000x64xf32, #tpu.memory_space<vmem_shared>>
      tpu.enqueue_indirect_dma source(%dma_start3A_581 : memref<125x64xf32, #tpu.memory_space<vmem>>) target(%dma_start3A_587 : memref<10000x64xf32, #tpu.memory_space<vmem_shared>>) offsets(%dma_start3A_584 : memref<125xi32, #tpu.memory_space<vmem>>) semaphore(%arg25 : memref<!tpu.dma_semaphore, #tpu.memory_space<semaphore_mem>>) {add = true}
      %ge3A_588 = arith.constant 3 : i32
      %ge3A_589 = arith.cmpi sge, %add3A_565, %ge3A_588 : i32
      %convert_element_type3A_590 = arith.extui %ge3A_589 : i1 to i32
      %cond3A_591 = arith.constant 0 : i32
      %cond3A_592 = arith.cmpi ne, %convert_element_type3A_590, %cond3A_591 : i32
      scf.if %cond3A_592 {
        %dma_wait3A_600 = arith.constant 1 : i32
        %dma_wait3A_601 = arith.constant 0 : i32
        %dma_wait3A_602 = arith.constant 0 : i32
        %dma_wait3A_603 = tpu.memref_slice %arg12[%dma_wait3A_600, %dma_wait3A_601, %dma_wait3A_602] : memref<5x125x64xf32, #tpu.memory_space<vmem>> -> memref<1x125x64xf32, #tpu.memory_space<vmem>>
        %dma_wait3A_604 = tpu.memref_squeeze %dma_wait3A_603 : memref<1x125x64xf32, #tpu.memory_space<vmem>> -> memref<125x64xf32, #tpu.memory_space<vmem>>
        %dma_wait3A_605 = arith.constant 0 : i32
        %dma_wait3A_606 = tpu.memref_slice %arg11[%add3A_565, %dma_wait3A_605] : memref<160x125xi32, #tpu.memory_space<vmem>> -> memref<1x125xi32, #tpu.memory_space<vmem>>
        %dma_wait3A_607 = tpu.memref_squeeze %dma_wait3A_606 : memref<1x125xi32, #tpu.memory_space<vmem>> -> memref<125xi32, #tpu.memory_space<vmem>>
        %dma_wait3A_608 = arith.constant 0 : i32
        %dma_wait3A_609 = arith.constant 0 : i32
        %dma_wait3A_610 = tpu.memref_slice %arg15[%dma_wait3A_608, %dma_wait3A_609] : memref<10000x64xf32, #tpu.memory_space<vmem_shared>> -> memref<10000x64xf32, #tpu.memory_space<vmem_shared>>
        tpu.wait_indirect_dma semaphore(%arg22 : memref<!tpu.dma_semaphore, #tpu.memory_space<semaphore_mem>>) src(%dma_wait3A_604 : memref<125x64xf32, #tpu.memory_space<vmem>>) dst(%dma_wait3A_610 : memref<10000x64xf32, #tpu.memory_space<vmem_shared>>)
      } else {
      }
      %add3A_593 = arith.constant 2 : i32
      %add3A_594 = arith.addi %add3A_565, %add3A_593 : i32
      %lt3A_595 = arith.constant 160 : i32
      %lt3A_596 = arith.cmpi slt, %add3A_594, %lt3A_595 : i32
      %convert_element_type3A_597 = arith.extui %lt3A_596 : i1 to i32
      %cond3A_598 = arith.constant 0 : i32
      %cond3A_599 = arith.cmpi ne, %convert_element_type3A_597, %cond3A_598 : i32
      scf.if %cond3A_599 {
        %add3A_600 = arith.constant 2 : i32
        %add3A_601 = arith.addi %add3A_565, %add3A_600 : i32
        %dma_start3A_602 = arith.constant 1 : i32
        %dma_start3A_603 = arith.constant 0 : i32
        %dma_start3A_604 = arith.constant 0 : i32
        %dma_start3A_605 = tpu.memref_slice %arg12[%dma_start3A_602, %dma_start3A_603, %dma_start3A_604] : memref<5x125x64xf32, #tpu.memory_space<vmem>> -> memref<1x125x64xf32, #tpu.memory_space<vmem>>
        %dma_start3A_606 = tpu.memref_squeeze %dma_start3A_605 : memref<1x125x64xf32, #tpu.memory_space<vmem>> -> memref<125x64xf32, #tpu.memory_space<vmem>>
        %dma_start3A_607 = arith.constant 0 : i32
        %dma_start3A_608 = tpu.memref_slice %arg10[%add3A_601, %dma_start3A_607] : memref<160x125xi32, #tpu.memory_space<vmem>> -> memref<1x125xi32, #tpu.memory_space<vmem>>
        %dma_start3A_609 = tpu.memref_squeeze %dma_start3A_608 : memref<1x125xi32, #tpu.memory_space<vmem>> -> memref<125xi32, #tpu.memory_space<vmem>>
        %dma_start3A_610 = arith.constant 0 : i32
        %dma_start3A_611 = arith.constant 0 : i32
        %dma_start3A_612 = tpu.memref_slice %arg2[%dma_start3A_610, %dma_start3A_611] : memref<20000x64xf32, #tpu.memory_space<hbm>> -> memref<20000x64xf32, #tpu.memory_space<hbm>>
        tpu.enqueue_indirect_dma source(%dma_start3A_612 : memref<20000x64xf32, #tpu.memory_space<hbm>>) target(%dma_start3A_606 : memref<125x64xf32, #tpu.memory_space<vmem>>) offsets(%dma_start3A_609 : memref<125xi32, #tpu.memory_space<vmem>>) semaphore(%arg17 : memref<!tpu.dma_semaphore, #tpu.memory_space<semaphore_mem>>)
      } else {
      }
    }
    %scan3A_77 = arith.constant 32 : i32
    %dma_wait3A_78 = arith.constant 2 : i32
    %dma_wait3A_79 = arith.constant 0 : i32
    %dma_wait3A_80 = arith.constant 0 : i32
    %dma_wait3A_81 = arith.constant 0 : i32
    %dma_wait3A_82 = tpu.memref_slice %arg12[%dma_wait3A_78, %dma_wait3A_80, %dma_wait3A_81] : memref<5x125x64xf32, #tpu.memory_space<vmem>> -> memref<1x125x64xf32, #tpu.memory_space<vmem>>
    %dma_wait3A_83 = tpu.memref_squeeze %dma_wait3A_82 : memref<1x125x64xf32, #tpu.memory_space<vmem>> -> memref<125x64xf32, #tpu.memory_space<vmem>>
    %dma_wait3A_84 = arith.constant 0 : i32
    %dma_wait3A_85 = tpu.memref_slice %arg11[%dma_wait3A_79, %dma_wait3A_84] : memref<160x125xi32, #tpu.memory_space<vmem>> -> memref<1x125xi32, #tpu.memory_space<vmem>>
    %dma_wait3A_86 = tpu.memref_squeeze %dma_wait3A_85 : memref<1x125xi32, #tpu.memory_space<vmem>> -> memref<125xi32, #tpu.memory_space<vmem>>
    %dma_wait3A_87 = arith.constant 0 : i32
    %dma_wait3A_88 = arith.constant 0 : i32
    %dma_wait3A_89 = tpu.memref_slice %arg15[%dma_wait3A_87, %dma_wait3A_88] : memref<10000x64xf32, #tpu.memory_space<vmem_shared>> -> memref<10000x64xf32, #tpu.memory_space<vmem_shared>>
    tpu.wait_indirect_dma semaphore(%arg23 : memref<!tpu.dma_semaphore, #tpu.memory_space<semaphore_mem>>) src(%dma_wait3A_83 : memref<125x64xf32, #tpu.memory_space<vmem>>) dst(%dma_wait3A_89 : memref<10000x64xf32, #tpu.memory_space<vmem_shared>>)
    %dma_wait3A_90 = arith.constant 3 : i32
    %dma_wait3A_91 = arith.constant 0 : i32
    %dma_wait3A_92 = arith.constant 0 : i32
    %dma_wait3A_93 = arith.constant 0 : i32
    %dma_wait3A_94 = tpu.memref_slice %arg12[%dma_wait3A_90, %dma_wait3A_92, %dma_wait3A_93] : memref<5x125x64xf32, #tpu.memory_space<vmem>> -> memref<1x125x64xf32, #tpu.memory_space<vmem>>
    %dma_wait3A_95 = tpu.memref_squeeze %dma_wait3A_94 : memref<1x125x64xf32, #tpu.memory_space<vmem>> -> memref<125x64xf32, #tpu.memory_space<vmem>>
    %dma_wait3A_96 = arith.constant 0 : i32
    %dma_wait3A_97 = tpu.memref_slice %arg11[%dma_wait3A_91, %dma_wait3A_96] : memref<160x125xi32, #tpu.memory_space<vmem>> -> memref<1x125xi32, #tpu.memory_space<vmem>>
    %dma_wait3A_98 = tpu.memref_squeeze %dma_wait3A_97 : memref<1x125xi32, #tpu.memory_space<vmem>> -> memref<125xi32, #tpu.memory_space<vmem>>
    %dma_wait3A_99 = arith.constant 0 : i32
    %dma_wait3A_100 = arith.constant 0 : i32
    %dma_wait3A_101 = tpu.memref_slice %arg15[%dma_wait3A_99, %dma_wait3A_100] : memref<10000x64xf32, #tpu.memory_space<vmem_shared>> -> memref<10000x64xf32, #tpu.memory_space<vmem_shared>>
    tpu.wait_indirect_dma semaphore(%arg24 : memref<!tpu.dma_semaphore, #tpu.memory_space<semaphore_mem>>) src(%dma_wait3A_95 : memref<125x64xf32, #tpu.memory_space<vmem>>) dst(%dma_wait3A_101 : memref<10000x64xf32, #tpu.memory_space<vmem_shared>>)
    %dma_wait3A_102 = arith.constant 4 : i32
    %dma_wait3A_103 = arith.constant 0 : i32
    %dma_wait3A_104 = arith.constant 0 : i32
    %dma_wait3A_105 = arith.constant 0 : i32
    %dma_wait3A_106 = tpu.memref_slice %arg12[%dma_wait3A_102, %dma_wait3A_104, %dma_wait3A_105] : memref<5x125x64xf32, #tpu.memory_space<vmem>> -> memref<1x125x64xf32, #tpu.memory_space<vmem>>
    %dma_wait3A_107 = tpu.memref_squeeze %dma_wait3A_106 : memref<1x125x64xf32, #tpu.memory_space<vmem>> -> memref<125x64xf32, #tpu.memory_space<vmem>>
    %dma_wait3A_108 = arith.constant 0 : i32
    %dma_wait3A_109 = tpu.memref_slice %arg11[%dma_wait3A_103, %dma_wait3A_108] : memref<160x125xi32, #tpu.memory_space<vmem>> -> memref<1x125xi32, #tpu.memory_space<vmem>>
    %dma_wait3A_110 = tpu.memref_squeeze %dma_wait3A_109 : memref<1x125xi32, #tpu.memory_space<vmem>> -> memref<125xi32, #tpu.memory_space<vmem>>
    %dma_wait3A_111 = arith.constant 0 : i32
    %dma_wait3A_112 = arith.constant 0 : i32
    %dma_wait3A_113 = tpu.memref_slice %arg15[%dma_wait3A_111, %dma_wait3A_112] : memref<10000x64xf32, #tpu.memory_space<vmem_shared>> -> memref<10000x64xf32, #tpu.memory_space<vmem_shared>>
    tpu.wait_indirect_dma semaphore(%arg25 : memref<!tpu.dma_semaphore, #tpu.memory_space<semaphore_mem>>) src(%dma_wait3A_107 : memref<125x64xf32, #tpu.memory_space<vmem>>) dst(%dma_wait3A_113 : memref<10000x64xf32, #tpu.memory_space<vmem_shared>>)
    %barrier3A_114 = arith.constant 0 : index
    tpu.barrier barrier_id(%barrier3A_114)
    %sub3A_115 = arith.subi %mul3A_0, %mul3A_18 : i32
    %get3A = arith.constant 0 : index
    %get3A_116 = tpu.vector_load %arg14[%get3A] {strides = array<i32>} : memref<64xf32, #tpu.memory_space<vmem>>, vector<16xf32>,
    %get3A_117 = arith.constant 16 : index
    %get3A_118 = tpu.vector_load %arg14[%get3A_117] {strides = array<i32>} : memref<64xf32, #tpu.memory_space<vmem>>, vector<16xf32>,
    %get3A_119 = arith.constant 32 : index
    %get3A_120 = tpu.vector_load %arg14[%get3A_119] {strides = array<i32>} : memref<64xf32, #tpu.memory_space<vmem>>, vector<16xf32>,
    %get3A_121 = arith.constant 48 : index
    %get3A_122 = tpu.vector_load %arg14[%get3A_121] {strides = array<i32>} : memref<64xf32, #tpu.memory_space<vmem>>, vector<16xf32>,
    %add3A = arith.constant 0 : i32
    %add3A_123 = arith.addi %mul3A_0, %add3A : i32
    %dma_start3A_124 = arith.constant 0 : i32
    %dma_start3A_125 = arith.constant 0 : i32
    %dma_start3A_126 = arith.constant 0 : i32
    %dma_start3A_127 = tpu.memref_slice %arg12[%dma_start3A_124, %dma_start3A_125, %dma_start3A_126] : memref<5x125x64xf32, #tpu.memory_space<vmem>> -> memref<1x125x64xf32, #tpu.memory_space<vmem>>
    %dma_start3A_128 = tpu.memref_squeeze %dma_start3A_127 : memref<1x125x64xf32, #tpu.memory_space<vmem>> -> memref<125x64xf32, #tpu.memory_space<vmem>>
    %dma_start3A_129 = arith.constant 0 : i32
    %dma_start3A_130 = tpu.memref_slice %arg15[%add3A_123, %dma_start3A_129] : memref<10000x64xf32, #tpu.memory_space<vmem_shared>> -> memref<125x64xf32, #tpu.memory_space<vmem_shared>>
    %dma_start3A_131 = arith.constant 0 : i32
    %dma_start3A_132 = arith.constant 0 : i32
    %dma_start3A_133 = tpu.memref_slice %arg12[%dma_start3A_124, %dma_start3A_131, %dma_start3A_132] : memref<5x125x64xf32, #tpu.memory_space<vmem>> -> memref<1x125x64xf32, #tpu.memory_space<vmem>>
    %dma_start3A_134 = tpu.memref_squeeze %dma_start3A_133 : memref<1x125x64xf32, #tpu.memory_space<vmem>> -> memref<125x64xf32, #tpu.memory_space<vmem>>
    %dma_start3A_135 = arith.constant 0 : i32
    %dma_start3A_136 = tpu.memref_slice %arg15[%add3A_123, %dma_start3A_135] : memref<10000x64xf32, #tpu.memory_space<vmem_shared>> -> memref<125x64xf32, #tpu.memory_space<vmem_shared>>
    tpu.enqueue_dma source(%dma_start3A_136 : memref<125x64xf32, #tpu.memory_space<vmem_shared>>) target(%dma_start3A_134 : memref<125x64xf32, #tpu.memory_space<vmem>>) target_semaphore(%arg16 : memref<!tpu.dma_semaphore, #tpu.memory_space<semaphore_mem>>)
    %add3A_137 = arith.constant 125 : i32
    %add3A_138 = arith.addi %mul3A_0, %add3A_137 : i32
    %dma_start3A_139 = arith.constant 1 : i32
    %dma_start3A_140 = arith.constant 0 : i32
    %dma_start3A_141 = arith.constant 0 : i32
    %dma_start3A_142 = tpu.memref_slice %arg12[%dma_start3A_139, %dma_start3A_140, %dma_start3A_141] : memref<5x125x64xf32, #tpu.memory_space<vmem>> -> memref<1x125x64xf32, #tpu.memory_space<vmem>>
    %dma_start3A_143 = tpu.memref_squeeze %dma_start3A_142 : memref<1x125x64xf32, #tpu.memory_space<vmem>> -> memref<125x64xf32, #tpu.memory_space<vmem>>
    %dma_start3A_144 = arith.constant 0 : i32
    %dma_start3A_145 = tpu.memref_slice %arg15[%add3A_138, %dma_start3A_144] : memref<10000x64xf32, #tpu.memory_space<vmem_shared>> -> memref<125x64xf32, #tpu.memory_space<vmem_shared>>
    %dma_start3A_146 = arith.constant 0 : i32
    %dma_start3A_147 = arith.constant 0 : i32
    %dma_start3A_148 = tpu.memref_slice %arg12[%dma_start3A_139, %dma_start3A_146, %dma_start3A_147] : memref<5x125x64xf32, #tpu.memory_space<vmem>> -> memref<1x125x64xf32, #tpu.memory_space<vmem>>
    %dma_start3A_149 = tpu.memref_squeeze %dma_start3A_148 : memref<1x125x64xf32, #tpu.memory_space<vmem>> -> memref<125x64xf32, #tpu.memory_space<vmem>>
    %dma_start3A_150 = arith.constant 0 : i32
    %dma_start3A_151 = tpu.memref_slice %arg15[%add3A_138, %dma_start3A_150] : memref<10000x64xf32, #tpu.memory_space<vmem_shared>> -> memref<125x64xf32, #tpu.memory_space<vmem_shared>>
    tpu.enqueue_dma source(%dma_start3A_151 : memref<125x64xf32, #tpu.memory_space<vmem_shared>>) target(%dma_start3A_149 : memref<125x64xf32, #tpu.memory_space<vmem>>) target_semaphore(%arg17 : memref<!tpu.dma_semaphore, #tpu.memory_space<semaphore_mem>>)
    %add3A_152 = arith.constant 250 : i32
    %add3A_153 = arith.addi %mul3A_0, %add3A_152 : i32
    %dma_start3A_154 = arith.constant 2 : i32
    %dma_start3A_155 = arith.constant 0 : i32
    %dma_start3A_156 = arith.constant 0 : i32
    %dma_start3A_157 = tpu.memref_slice %arg12[%dma_start3A_154, %dma_start3A_155, %dma_start3A_156] : memref<5x125x64xf32, #tpu.memory_space<vmem>> -> memref<1x125x64xf32, #tpu.memory_space<vmem>>
    %dma_start3A_158 = tpu.memref_squeeze %dma_start3A_157 : memref<1x125x64xf32, #tpu.memory_space<vmem>> -> memref<125x64xf32, #tpu.memory_space<vmem>>
    %dma_start3A_159 = arith.constant 0 : i32
    %dma_start3A_160 = tpu.memref_slice %arg15[%add3A_153, %dma_start3A_159] : memref<10000x64xf32, #tpu.memory_space<vmem_shared>> -> memref<125x64xf32, #tpu.memory_space<vmem_shared>>
    %dma_start3A_161 = arith.constant 0 : i32
    %dma_start3A_162 = arith.constant 0 : i32
    %dma_start3A_163 = tpu.memref_slice %arg12[%dma_start3A_154, %dma_start3A_161, %dma_start3A_162] : memref<5x125x64xf32, #tpu.memory_space<vmem>> -> memref<1x125x64xf32, #tpu.memory_space<vmem>>
    %dma_start3A_164 = tpu.memref_squeeze %dma_start3A_163 : memref<1x125x64xf32, #tpu.memory_space<vmem>> -> memref<125x64xf32, #tpu.memory_space<vmem>>
    %dma_start3A_165 = arith.constant 0 : i32
    %dma_start3A_166 = tpu.memref_slice %arg15[%add3A_153, %dma_start3A_165] : memref<10000x64xf32, #tpu.memory_space<vmem_shared>> -> memref<125x64xf32, #tpu.memory_space<vmem_shared>>
    tpu.enqueue_dma source(%dma_start3A_166 : memref<125x64xf32, #tpu.memory_space<vmem_shared>>) target(%dma_start3A_164 : memref<125x64xf32, #tpu.memory_space<vmem>>) target_semaphore(%arg18 : memref<!tpu.dma_semaphore, #tpu.memory_space<semaphore_mem>>)
    %add3A_167 = arith.constant 375 : i32
    %add3A_168 = arith.addi %mul3A_0, %add3A_167 : i32
    %dma_start3A_169 = arith.constant 3 : i32
    %dma_start3A_170 = arith.constant 0 : i32
    %dma_start3A_171 = arith.constant 0 : i32
    %dma_start3A_172 = tpu.memref_slice %arg12[%dma_start3A_169, %dma_start3A_170, %dma_start3A_171] : memref<5x125x64xf32, #tpu.memory_space<vmem>> -> memref<1x125x64xf32, #tpu.memory_space<vmem>>
    %dma_start3A_173 = tpu.memref_squeeze %dma_start3A_172 : memref<1x125x64xf32, #tpu.memory_space<vmem>> -> memref<125x64xf32, #tpu.memory_space<vmem>>
    %dma_start3A_174 = arith.constant 0 : i32
    %dma_start3A_175 = tpu.memref_slice %arg15[%add3A_168, %dma_start3A_174] : memref<10000x64xf32, #tpu.memory_space<vmem_shared>> -> memref<125x64xf32, #tpu.memory_space<vmem_shared>>
    %dma_start3A_176 = arith.constant 0 : i32
    %dma_start3A_177 = arith.constant 0 : i32
    %dma_start3A_178 = tpu.memref_slice %arg12[%dma_start3A_169, %dma_start3A_176, %dma_start3A_177] : memref<5x125x64xf32, #tpu.memory_space<vmem>> -> memref<1x125x64xf32, #tpu.memory_space<vmem>>
    %dma_start3A_179 = tpu.memref_squeeze %dma_start3A_178 : memref<1x125x64xf32, #tpu.memory_space<vmem>> -> memref<125x64xf32, #tpu.memory_space<vmem>>
    %dma_start3A_180 = arith.constant 0 : i32
    %dma_start3A_181 = tpu.memref_slice %arg15[%add3A_168, %dma_start3A_180] : memref<10000x64xf32, #tpu.memory_space<vmem_shared>> -> memref<125x64xf32, #tpu.memory_space<vmem_shared>>
    tpu.enqueue_dma source(%dma_start3A_181 : memref<125x64xf32, #tpu.memory_space<vmem_shared>>) target(%dma_start3A_179 : memref<125x64xf32, #tpu.memory_space<vmem>>) target_semaphore(%arg19 : memref<!tpu.dma_semaphore, #tpu.memory_space<semaphore_mem>>)
    %add3A_182 = arith.constant 500 : i32
    %add3A_183 = arith.addi %mul3A_0, %add3A_182 : i32
    %dma_start3A_184 = arith.constant 4 : i32
    %dma_start3A_185 = arith.constant 0 : i32
    %dma_start3A_186 = arith.constant 0 : i32
    %dma_start3A_187 = tpu.memref_slice %arg12[%dma_start3A_184, %dma_start3A_185, %dma_start3A_186] : memref<5x125x64xf32, #tpu.memory_space<vmem>> -> memref<1x125x64xf32, #tpu.memory_space<vmem>>
    %dma_start3A_188 = tpu.memref_squeeze %dma_start3A_187 : memref<1x125x64xf32, #tpu.memory_space<vmem>> -> memref<125x64xf32, #tpu.memory_space<vmem>>
    %dma_start3A_189 = arith.constant 0 : i32
    %dma_start3A_190 = tpu.memref_slice %arg15[%add3A_183, %dma_start3A_189] : memref<10000x64xf32, #tpu.memory_space<vmem_shared>> -> memref<125x64xf32, #tpu.memory_space<vmem_shared>>
    %dma_start3A_191 = arith.constant 0 : i32
    %dma_start3A_192 = arith.constant 0 : i32
    %dma_start3A_193 = tpu.memref_slice %arg12[%dma_start3A_184, %dma_start3A_191, %dma_start3A_192] : memref<5x125x64xf32, #tpu.memory_space<vmem>> -> memref<1x125x64xf32, #tpu.memory_space<vmem>>
    %dma_start3A_194 = tpu.memref_squeeze %dma_start3A_193 : memref<1x125x64xf32, #tpu.memory_space<vmem>> -> memref<125x64xf32, #tpu.memory_space<vmem>>
    %dma_start3A_195 = arith.constant 0 : i32
    %dma_start3A_196 = tpu.memref_slice %arg15[%add3A_183, %dma_start3A_195] : memref<10000x64xf32, #tpu.memory_space<vmem_shared>> -> memref<125x64xf32, #tpu.memory_space<vmem_shared>>
    tpu.enqueue_dma source(%dma_start3A_196 : memref<125x64xf32, #tpu.memory_space<vmem_shared>>) target(%dma_start3A_194 : memref<125x64xf32, #tpu.memory_space<vmem>>) target_semaphore(%arg20 : memref<!tpu.dma_semaphore, #tpu.memory_space<semaphore_mem>>)
    %dma_wait3A_197 = arith.constant 0 : i32
    %dma_wait3A_198 = arith.constant 0 : i32
    %dma_wait3A_199 = arith.constant 0 : i32
    %dma_wait3A_200 = tpu.memref_slice %arg12[%dma_wait3A_197, %dma_wait3A_198, %dma_wait3A_199] : memref<5x125x64xf32, #tpu.memory_space<vmem>> -> memref<1x125x64xf32, #tpu.memory_space<vmem>>
    %dma_wait3A_201 = tpu.memref_squeeze %dma_wait3A_200 : memref<1x125x64xf32, #tpu.memory_space<vmem>> -> memref<125x64xf32, #tpu.memory_space<vmem>>
    %dma_wait3A_202 = arith.constant 0 : i32
    %dma_wait3A_203 = tpu.memref_slice %arg15[%add3A_123, %dma_wait3A_202] : memref<10000x64xf32, #tpu.memory_space<vmem_shared>> -> memref<125x64xf32, #tpu.memory_space<vmem_shared>>
    %dma_wait3A_204 = arith.constant 0 : i32
    %dma_wait3A_205 = arith.constant 0 : i32
    %dma_wait3A_206 = tpu.memref_slice %arg12[%dma_wait3A_197, %dma_wait3A_204, %dma_wait3A_205] : memref<5x125x64xf32, #tpu.memory_space<vmem>> -> memref<1x125x64xf32, #tpu.memory_space<vmem>>
    %dma_wait3A_207 = tpu.memref_squeeze %dma_wait3A_206 : memref<1x125x64xf32, #tpu.memory_space<vmem>> -> memref<125x64xf32, #tpu.memory_space<vmem>>
    %dma_wait3A_208 = arith.constant 0 : i32
    %dma_wait3A_209 = tpu.memref_slice %arg15[%add3A_123, %dma_wait3A_208] : memref<10000x64xf32, #tpu.memory_space<vmem_shared>> -> memref<125x64xf32, #tpu.memory_space<vmem_shared>>
    tpu.wait_dma2 semaphore(%arg16 : memref<!tpu.dma_semaphore, #tpu.memory_space<semaphore_mem>>) src(%dma_wait3A_209 : memref<125x64xf32, #tpu.memory_space<vmem_shared>>) dst(%dma_wait3A_207 : memref<125x64xf32, #tpu.memory_space<vmem>>)
    %scan3A_210 = arith.constant 0 : i32
    %scan3A_211 = arith.constant 125 : i32
    %scan3A_212 = arith.addi %scan3A_210, %scan3A_211 : i32
    %scan3A_213 = arith.constant 1 : i32
    scf.for %scan3A_417 = %scan3A_210 to %scan3A_212 step %scan3A_213  : i32 {
      %mul3A_418 = arith.constant 1 : i32
      %mul3A_419 = arith.muli %scan3A_417, %mul3A_418 : i32
      %add3A_420 = arith.constant 0 : i32
      %add3A_421 = arith.addi %add3A_420, %mul3A_419 : i32
      %broadcast_in_dim3A = arith.constant 0 : i32
      %broadcast_in_dim3A_422 = vector.broadcast %broadcast_in_dim3A : i32 to vector<16xi32>
      %add3A_423 = arith.constant 0 : i32
      %add3A_424 = arith.addi %sub3A_115, %add3A_423 : i32
      %add3A_425 = arith.addi %add3A_424, %add3A_421 : i32
      %add3A_426 = vector.broadcast %add3A_425 : i32 to vector<16xi32>
      %add3A_427 = arith.addi %broadcast_in_dim3A_422, %add3A_426 : vector<16xi32>
      %gather3A = tpu.vector_load_idx %arg13[%add3A_427] : memref<640xf32, #tpu.memory_space<vmem>>[vector<16xi32>], vector<16xf32>,
      %get3A_428 = arith.constant 0 : i32
      %get3A_429 = arith.index_cast %get3A_428 : i32 to index
      %get3A_430 = arith.index_cast %add3A_421 : i32 to index
      %get3A_431 = arith.constant 0 : index
      %get3A_432 = tpu.vector_load %arg12[%get3A_429, %get3A_430, %get3A_431] {strides = array<i32>} : memref<5x125x64xf32, #tpu.memory_space<vmem>>, vector<16xf32>,
      %mul3A_433 = arith.mulf %get3A_432, %gather3A : vector<16xf32>
      %add3A_434 = arith.addf %mul3A_433, %get3A_116 : vector<16xf32>
      %swap3A = arith.constant 0 : i32
      %swap3A_435 = arith.index_cast %swap3A : i32 to index
      %swap3A_436 = arith.index_cast %add3A_421 : i32 to index
      %swap3A_437 = arith.constant 0 : index
      %swap3A_438 = tpu.vector_load %arg12[%swap3A_435, %swap3A_436, %swap3A_437] {strides = array<i32>} : memref<5x125x64xf32, #tpu.memory_space<vmem>>, vector<16xf32>,
      tpu.vector_store %arg12[%swap3A_435, %swap3A_436, %swap3A_437], %add3A_434 {strides = array<i32>} : memref<5x125x64xf32, #tpu.memory_space<vmem>>, vector<16xf32>,
      %get3A_439 = arith.constant 0 : i32
      %get3A_440 = arith.index_cast %get3A_439 : i32 to index
      %get3A_441 = arith.index_cast %add3A_421 : i32 to index
      %get3A_442 = arith.constant 16 : index
      %get3A_443 = tpu.vector_load %arg12[%get3A_440, %get3A_441, %get3A_442] {strides = array<i32>} : memref<5x125x64xf32, #tpu.memory_space<vmem>>, vector<16xf32>,
      %mul3A_444 = arith.mulf %get3A_443, %gather3A : vector<16xf32>
      %add3A_445 = arith.addf %mul3A_444, %get3A_118 : vector<16xf32>
      %swap3A_446 = arith.constant 0 : i32
      %swap3A_447 = arith.index_cast %swap3A_446 : i32 to index
      %swap3A_448 = arith.index_cast %add3A_421 : i32 to index
      %swap3A_449 = arith.constant 16 : index
      %swap3A_450 = tpu.vector_load %arg12[%swap3A_447, %swap3A_448, %swap3A_449] {strides = array<i32>} : memref<5x125x64xf32, #tpu.memory_space<vmem>>, vector<16xf32>,
      tpu.vector_store %arg12[%swap3A_447, %swap3A_448, %swap3A_449], %add3A_445 {strides = array<i32>} : memref<5x125x64xf32, #tpu.memory_space<vmem>>, vector<16xf32>,
      %get3A_451 = arith.constant 0 : i32
      %get3A_452 = arith.index_cast %get3A_451 : i32 to index
      %get3A_453 = arith.index_cast %add3A_421 : i32 to index
      %get3A_454 = arith.constant 32 : index
      %get3A_455 = tpu.vector_load %arg12[%get3A_452, %get3A_453, %get3A_454] {strides = array<i32>} : memref<5x125x64xf32, #tpu.memory_space<vmem>>, vector<16xf32>,
      %mul3A_456 = arith.mulf %get3A_455, %gather3A : vector<16xf32>
      %add3A_457 = arith.addf %mul3A_456, %get3A_120 : vector<16xf32>
      %swap3A_458 = arith.constant 0 : i32
      %swap3A_459 = arith.index_cast %swap3A_458 : i32 to index
      %swap3A_460 = arith.index_cast %add3A_421 : i32 to index
      %swap3A_461 = arith.constant 32 : index
      %swap3A_462 = tpu.vector_load %arg12[%swap3A_459, %swap3A_460, %swap3A_461] {strides = array<i32>} : memref<5x125x64xf32, #tpu.memory_space<vmem>>, vector<16xf32>,
      tpu.vector_store %arg12[%swap3A_459, %swap3A_460, %swap3A_461], %add3A_457 {strides = array<i32>} : memref<5x125x64xf32, #tpu.memory_space<vmem>>, vector<16xf32>,
      %get3A_463 = arith.constant 0 : i32
      %get3A_464 = arith.index_cast %get3A_463 : i32 to index
      %get3A_465 = arith.index_cast %add3A_421 : i32 to index
      %get3A_466 = arith.constant 48 : index
      %get3A_467 = tpu.vector_load %arg12[%get3A_464, %get3A_465, %get3A_466] {strides = array<i32>} : memref<5x125x64xf32, #tpu.memory_space<vmem>>, vector<16xf32>,
      %mul3A_468 = arith.mulf %get3A_467, %gather3A : vector<16xf32>
      %add3A_469 = arith.addf %mul3A_468, %get3A_122 : vector<16xf32>
      %swap3A_470 = arith.constant 0 : i32
      %swap3A_471 = arith.index_cast %swap3A_470 : i32 to index
      %swap3A_472 = arith.index_cast %add3A_421 : i32 to index
      %swap3A_473 = arith.constant 48 : index
      %swap3A_474 = tpu.vector_load %arg12[%swap3A_471, %swap3A_472, %swap3A_473] {strides = array<i32>} : memref<5x125x64xf32, #tpu.memory_space<vmem>>, vector<16xf32>,
      tpu.vector_store %arg12[%swap3A_471, %swap3A_472, %swap3A_473], %add3A_469 {strides = array<i32>} : memref<5x125x64xf32, #tpu.memory_space<vmem>>, vector<16xf32>,
    }
    %scan3A_214 = arith.constant 125 : i32
    %add3A_215 = arith.constant 0 : i32
    %add3A_216 = arith.addi %mul3A_0, %add3A_215 : i32
    %mul3A_217 = arith.constant 64 : i32
    %mul3A_218 = arith.muli %arg0, %mul3A_217 : i32
    %dma_start3A_219 = arith.constant 0 : i32
    %dma_start3A_220 = arith.constant 0 : i32
    %dma_start3A_221 = arith.constant 0 : i32
    %dma_start3A_222 = tpu.memref_slice %arg12[%dma_start3A_219, %dma_start3A_220, %dma_start3A_221] : memref<5x125x64xf32, #tpu.memory_space<vmem>> -> memref<1x125x64xf32, #tpu.memory_space<vmem>>
    %dma_start3A_223 = tpu.memref_squeeze %dma_start3A_222 : memref<1x125x64xf32, #tpu.memory_space<vmem>> -> memref<125x64xf32, #tpu.memory_space<vmem>>
    %dma_start3A_224 = tpu.memref_slice %arg9[%add3A_216, %mul3A_218] : memref<10000x128xf32, #tpu.memory_space<hbm>> -> memref<125x64xf32, #tpu.memory_space<hbm>>
    %dma_start3A_225 = tpu.memref_slice %arg9[%add3A_216, %mul3A_218] : memref<10000x128xf32, #tpu.memory_space<hbm>> -> memref<125x64xf32, #tpu.memory_space<hbm>>
    %dma_start3A_226 = arith.constant 0 : i32
    %dma_start3A_227 = arith.constant 0 : i32
    %dma_start3A_228 = tpu.memref_slice %arg12[%dma_start3A_219, %dma_start3A_226, %dma_start3A_227] : memref<5x125x64xf32, #tpu.memory_space<vmem>> -> memref<1x125x64xf32, #tpu.memory_space<vmem>>
    %dma_start3A_229 = tpu.memref_squeeze %dma_start3A_228 : memref<1x125x64xf32, #tpu.memory_space<vmem>> -> memref<125x64xf32, #tpu.memory_space<vmem>>
    tpu.enqueue_dma source(%dma_start3A_229 : memref<125x64xf32, #tpu.memory_space<vmem>>) target(%dma_start3A_225 : memref<125x64xf32, #tpu.memory_space<hbm>>) target_semaphore(%arg21 : memref<!tpu.dma_semaphore, #tpu.memory_space<semaphore_mem>>)
    %dma_wait3A_230 = arith.constant 1 : i32
    %dma_wait3A_231 = arith.constant 0 : i32
    %dma_wait3A_232 = arith.constant 0 : i32
    %dma_wait3A_233 = tpu.memref_slice %arg12[%dma_wait3A_230, %dma_wait3A_231, %dma_wait3A_232] : memref<5x125x64xf32, #tpu.memory_space<vmem>> -> memref<1x125x64xf32, #tpu.memory_space<vmem>>
    %dma_wait3A_234 = tpu.memref_squeeze %dma_wait3A_233 : memref<1x125x64xf32, #tpu.memory_space<vmem>> -> memref<125x64xf32, #tpu.memory_space<vmem>>
    %dma_wait3A_235 = arith.constant 0 : i32
    %dma_wait3A_236 = tpu.memref_slice %arg15[%add3A_138, %dma_wait3A_235] : memref<10000x64xf32, #tpu.memory_space<vmem_shared>> -> memref<125x64xf32, #tpu.memory_space<vmem_shared>>
    %dma_wait3A_237 = arith.constant 0 : i32
    %dma_wait3A_238 = arith.constant 0 : i32
    %dma_wait3A_239 = tpu.memref_slice %arg12[%dma_wait3A_230, %dma_wait3A_237, %dma_wait3A_238] : memref<5x125x64xf32, #tpu.memory_space<vmem>> -> memref<1x125x64xf32, #tpu.memory_space<vmem>>
    %dma_wait3A_240 = tpu.memref_squeeze %dma_wait3A_239 : memref<1x125x64xf32, #tpu.memory_space<vmem>> -> memref<125x64xf32, #tpu.memory_space<vmem>>
    %dma_wait3A_241 = arith.constant 0 : i32
    %dma_wait3A_242 = tpu.memref_slice %arg15[%add3A_138, %dma_wait3A_241] : memref<10000x64xf32, #tpu.memory_space<vmem_shared>> -> memref<125x64xf32, #tpu.memory_space<vmem_shared>>
    tpu.wait_dma2 semaphore(%arg17 : memref<!tpu.dma_semaphore, #tpu.memory_space<semaphore_mem>>) src(%dma_wait3A_242 : memref<125x64xf32, #tpu.memory_space<vmem_shared>>) dst(%dma_wait3A_240 : memref<125x64xf32, #tpu.memory_space<vmem>>)
    %scan3A_243 = arith.constant 0 : i32
    %scan3A_244 = arith.constant 125 : i32
    %scan3A_245 = arith.addi %scan3A_243, %scan3A_244 : i32
    %scan3A_246 = arith.constant 1 : i32
    scf.for %scan3A_417 = %scan3A_243 to %scan3A_245 step %scan3A_246  : i32 {
      %mul3A_418 = arith.constant 1 : i32
      %mul3A_419 = arith.muli %scan3A_417, %mul3A_418 : i32
      %add3A_420 = arith.constant 0 : i32
      %add3A_421 = arith.addi %add3A_420, %mul3A_419 : i32
      %broadcast_in_dim3A = arith.constant 0 : i32
      %broadcast_in_dim3A_422 = vector.broadcast %broadcast_in_dim3A : i32 to vector<16xi32>
      %add3A_423 = arith.constant 125 : i32
      %add3A_424 = arith.addi %sub3A_115, %add3A_423 : i32
      %add3A_425 = arith.addi %add3A_424, %add3A_421 : i32
      %add3A_426 = vector.broadcast %add3A_425 : i32 to vector<16xi32>
      %add3A_427 = arith.addi %broadcast_in_dim3A_422, %add3A_426 : vector<16xi32>
      %gather3A = tpu.vector_load_idx %arg13[%add3A_427] : memref<640xf32, #tpu.memory_space<vmem>>[vector<16xi32>], vector<16xf32>,
      %get3A_428 = arith.constant 1 : i32
      %get3A_429 = arith.index_cast %get3A_428 : i32 to index
      %get3A_430 = arith.index_cast %add3A_421 : i32 to index
      %get3A_431 = arith.constant 0 : index
      %get3A_432 = tpu.vector_load %arg12[%get3A_429, %get3A_430, %get3A_431] {strides = array<i32>} : memref<5x125x64xf32, #tpu.memory_space<vmem>>, vector<16xf32>,
      %mul3A_433 = arith.mulf %get3A_432, %gather3A : vector<16xf32>
      %add3A_434 = arith.addf %mul3A_433, %get3A_116 : vector<16xf32>
      %swap3A = arith.constant 1 : i32
      %swap3A_435 = arith.index_cast %swap3A : i32 to index
      %swap3A_436 = arith.index_cast %add3A_421 : i32 to index
      %swap3A_437 = arith.constant 0 : index
      %swap3A_438 = tpu.vector_load %arg12[%swap3A_435, %swap3A_436, %swap3A_437] {strides = array<i32>} : memref<5x125x64xf32, #tpu.memory_space<vmem>>, vector<16xf32>,
      tpu.vector_store %arg12[%swap3A_435, %swap3A_436, %swap3A_437], %add3A_434 {strides = array<i32>} : memref<5x125x64xf32, #tpu.memory_space<vmem>>, vector<16xf32>,
      %get3A_439 = arith.constant 1 : i32
      %get3A_440 = arith.index_cast %get3A_439 : i32 to index
      %get3A_441 = arith.index_cast %add3A_421 : i32 to index
      %get3A_442 = arith.constant 16 : index
      %get3A_443 = tpu.vector_load %arg12[%get3A_440, %get3A_441, %get3A_442] {strides = array<i32>} : memref<5x125x64xf32, #tpu.memory_space<vmem>>, vector<16xf32>,
      %mul3A_444 = arith.mulf %get3A_443, %gather3A : vector<16xf32>
      %add3A_445 = arith.addf %mul3A_444, %get3A_118 : vector<16xf32>
      %swap3A_446 = arith.constant 1 : i32
      %swap3A_447 = arith.index_cast %swap3A_446 : i32 to index
      %swap3A_448 = arith.index_cast %add3A_421 : i32 to index
      %swap3A_449 = arith.constant 16 : index
      %swap3A_450 = tpu.vector_load %arg12[%swap3A_447, %swap3A_448, %swap3A_449] {strides = array<i32>} : memref<5x125x64xf32, #tpu.memory_space<vmem>>, vector<16xf32>,
      tpu.vector_store %arg12[%swap3A_447, %swap3A_448, %swap3A_449], %add3A_445 {strides = array<i32>} : memref<5x125x64xf32, #tpu.memory_space<vmem>>, vector<16xf32>,
      %get3A_451 = arith.constant 1 : i32
      %get3A_452 = arith.index_cast %get3A_451 : i32 to index
      %get3A_453 = arith.index_cast %add3A_421 : i32 to index
      %get3A_454 = arith.constant 32 : index
      %get3A_455 = tpu.vector_load %arg12[%get3A_452, %get3A_453, %get3A_454] {strides = array<i32>} : memref<5x125x64xf32, #tpu.memory_space<vmem>>, vector<16xf32>,
      %mul3A_456 = arith.mulf %get3A_455, %gather3A : vector<16xf32>
      %add3A_457 = arith.addf %mul3A_456, %get3A_120 : vector<16xf32>
      %swap3A_458 = arith.constant 1 : i32
      %swap3A_459 = arith.index_cast %swap3A_458 : i32 to index
      %swap3A_460 = arith.index_cast %add3A_421 : i32 to index
      %swap3A_461 = arith.constant 32 : index
      %swap3A_462 = tpu.vector_load %arg12[%swap3A_459, %swap3A_460, %swap3A_461] {strides = array<i32>} : memref<5x125x64xf32, #tpu.memory_space<vmem>>, vector<16xf32>,
      tpu.vector_store %arg12[%swap3A_459, %swap3A_460, %swap3A_461], %add3A_457 {strides = array<i32>} : memref<5x125x64xf32, #tpu.memory_space<vmem>>, vector<16xf32>,
      %get3A_463 = arith.constant 1 : i32
      %get3A_464 = arith.index_cast %get3A_463 : i32 to index
      %get3A_465 = arith.index_cast %add3A_421 : i32 to index
      %get3A_466 = arith.constant 48 : index
      %get3A_467 = tpu.vector_load %arg12[%get3A_464, %get3A_465, %get3A_466] {strides = array<i32>} : memref<5x125x64xf32, #tpu.memory_space<vmem>>, vector<16xf32>,
      %mul3A_468 = arith.mulf %get3A_467, %gather3A : vector<16xf32>
      %add3A_469 = arith.addf %mul3A_468, %get3A_122 : vector<16xf32>
      %swap3A_470 = arith.constant 1 : i32
      %swap3A_471 = arith.index_cast %swap3A_470 : i32 to index
      %swap3A_472 = arith.index_cast %add3A_421 : i32 to index
      %swap3A_473 = arith.constant 48 : index
      %swap3A_474 = tpu.vector_load %arg12[%swap3A_471, %swap3A_472, %swap3A_473] {strides = array<i32>} : memref<5x125x64xf32, #tpu.memory_space<vmem>>, vector<16xf32>,
      tpu.vector_store %arg12[%swap3A_471, %swap3A_472, %swap3A_473], %add3A_469 {strides = array<i32>} : memref<5x125x64xf32, #tpu.memory_space<vmem>>, vector<16xf32>,
    }
    %scan3A_247 = arith.constant 125 : i32
    %add3A_248 = arith.constant 125 : i32
    %add3A_249 = arith.addi %mul3A_0, %add3A_248 : i32
    %mul3A_250 = arith.constant 64 : i32
    %mul3A_251 = arith.muli %arg0, %mul3A_250 : i32
    %dma_start3A_252 = arith.constant 1 : i32
    %dma_start3A_253 = arith.constant 0 : i32
    %dma_start3A_254 = arith.constant 0 : i32
    %dma_start3A_255 = tpu.memref_slice %arg12[%dma_start3A_252, %dma_start3A_253, %dma_start3A_254] : memref<5x125x64xf32, #tpu.memory_space<vmem>> -> memref<1x125x64xf32, #tpu.memory_space<vmem>>
    %dma_start3A_256 = tpu.memref_squeeze %dma_start3A_255 : memref<1x125x64xf32, #tpu.memory_space<vmem>> -> memref<125x64xf32, #tpu.memory_space<vmem>>
    %dma_start3A_257 = tpu.memref_slice %arg9[%add3A_249, %mul3A_251] : memref<10000x128xf32, #tpu.memory_space<hbm>> -> memref<125x64xf32, #tpu.memory_space<hbm>>
    %dma_start3A_258 = tpu.memref_slice %arg9[%add3A_249, %mul3A_251] : memref<10000x128xf32, #tpu.memory_space<hbm>> -> memref<125x64xf32, #tpu.memory_space<hbm>>
    %dma_start3A_259 = arith.constant 0 : i32
    %dma_start3A_260 = arith.constant 0 : i32
    %dma_start3A_261 = tpu.memref_slice %arg12[%dma_start3A_252, %dma_start3A_259, %dma_start3A_260] : memref<5x125x64xf32, #tpu.memory_space<vmem>> -> memref<1x125x64xf32, #tpu.memory_space<vmem>>
    %dma_start3A_262 = tpu.memref_squeeze %dma_start3A_261 : memref<1x125x64xf32, #tpu.memory_space<vmem>> -> memref<125x64xf32, #tpu.memory_space<vmem>>
    tpu.enqueue_dma source(%dma_start3A_262 : memref<125x64xf32, #tpu.memory_space<vmem>>) target(%dma_start3A_258 : memref<125x64xf32, #tpu.memory_space<hbm>>) target_semaphore(%arg22 : memref<!tpu.dma_semaphore, #tpu.memory_space<semaphore_mem>>)
    %dma_wait3A_263 = arith.constant 2 : i32
    %dma_wait3A_264 = arith.constant 0 : i32
    %dma_wait3A_265 = arith.constant 0 : i32
    %dma_wait3A_266 = tpu.memref_slice %arg12[%dma_wait3A_263, %dma_wait3A_264, %dma_wait3A_265] : memref<5x125x64xf32, #tpu.memory_space<vmem>> -> memref<1x125x64xf32, #tpu.memory_space<vmem>>
    %dma_wait3A_267 = tpu.memref_squeeze %dma_wait3A_266 : memref<1x125x64xf32, #tpu.memory_space<vmem>> -> memref<125x64xf32, #tpu.memory_space<vmem>>
    %dma_wait3A_268 = arith.constant 0 : i32
    %dma_wait3A_269 = tpu.memref_slice %arg15[%add3A_153, %dma_wait3A_268] : memref<10000x64xf32, #tpu.memory_space<vmem_shared>> -> memref<125x64xf32, #tpu.memory_space<vmem_shared>>
    %dma_wait3A_270 = arith.constant 0 : i32
    %dma_wait3A_271 = arith.constant 0 : i32
    %dma_wait3A_272 = tpu.memref_slice %arg12[%dma_wait3A_263, %dma_wait3A_270, %dma_wait3A_271] : memref<5x125x64xf32, #tpu.memory_space<vmem>> -> memref<1x125x64xf32, #tpu.memory_space<vmem>>
    %dma_wait3A_273 = tpu.memref_squeeze %dma_wait3A_272 : memref<1x125x64xf32, #tpu.memory_space<vmem>> -> memref<125x64xf32, #tpu.memory_space<vmem>>
    %dma_wait3A_274 = arith.constant 0 : i32
    %dma_wait3A_275 = tpu.memref_slice %arg15[%add3A_153, %dma_wait3A_274] : memref<10000x64xf32, #tpu.memory_space<vmem_shared>> -> memref<125x64xf32, #tpu.memory_space<vmem_shared>>
    tpu.wait_dma2 semaphore(%arg18 : memref<!tpu.dma_semaphore, #tpu.memory_space<semaphore_mem>>) src(%dma_wait3A_275 : memref<125x64xf32, #tpu.memory_space<vmem_shared>>) dst(%dma_wait3A_273 : memref<125x64xf32, #tpu.memory_space<vmem>>)
    %scan3A_276 = arith.constant 0 : i32
    %scan3A_277 = arith.constant 125 : i32
    %scan3A_278 = arith.addi %scan3A_276, %scan3A_277 : i32
    %scan3A_279 = arith.constant 1 : i32
    scf.for %scan3A_417 = %scan3A_276 to %scan3A_278 step %scan3A_279  : i32 {
      %mul3A_418 = arith.constant 1 : i32
      %mul3A_419 = arith.muli %scan3A_417, %mul3A_418 : i32
      %add3A_420 = arith.constant 0 : i32
      %add3A_421 = arith.addi %add3A_420, %mul3A_419 : i32
      %broadcast_in_dim3A = arith.constant 0 : i32
      %broadcast_in_dim3A_422 = vector.broadcast %broadcast_in_dim3A : i32 to vector<16xi32>
      %add3A_423 = arith.constant 250 : i32
      %add3A_424 = arith.addi %sub3A_115, %add3A_423 : i32
      %add3A_425 = arith.addi %add3A_424, %add3A_421 : i32
      %add3A_426 = vector.broadcast %add3A_425 : i32 to vector<16xi32>
      %add3A_427 = arith.addi %broadcast_in_dim3A_422, %add3A_426 : vector<16xi32>
      %gather3A = tpu.vector_load_idx %arg13[%add3A_427] : memref<640xf32, #tpu.memory_space<vmem>>[vector<16xi32>], vector<16xf32>,
      %get3A_428 = arith.constant 2 : i32
      %get3A_429 = arith.index_cast %get3A_428 : i32 to index
      %get3A_430 = arith.index_cast %add3A_421 : i32 to index
      %get3A_431 = arith.constant 0 : index
      %get3A_432 = tpu.vector_load %arg12[%get3A_429, %get3A_430, %get3A_431] {strides = array<i32>} : memref<5x125x64xf32, #tpu.memory_space<vmem>>, vector<16xf32>,
      %mul3A_433 = arith.mulf %get3A_432, %gather3A : vector<16xf32>
      %add3A_434 = arith.addf %mul3A_433, %get3A_116 : vector<16xf32>
      %swap3A = arith.constant 2 : i32
      %swap3A_435 = arith.index_cast %swap3A : i32 to index
      %swap3A_436 = arith.index_cast %add3A_421 : i32 to index
      %swap3A_437 = arith.constant 0 : index
      %swap3A_438 = tpu.vector_load %arg12[%swap3A_435, %swap3A_436, %swap3A_437] {strides = array<i32>} : memref<5x125x64xf32, #tpu.memory_space<vmem>>, vector<16xf32>,
      tpu.vector_store %arg12[%swap3A_435, %swap3A_436, %swap3A_437], %add3A_434 {strides = array<i32>} : memref<5x125x64xf32, #tpu.memory_space<vmem>>, vector<16xf32>,
      %get3A_439 = arith.constant 2 : i32
      %get3A_440 = arith.index_cast %get3A_439 : i32 to index
      %get3A_441 = arith.index_cast %add3A_421 : i32 to index
      %get3A_442 = arith.constant 16 : index
      %get3A_443 = tpu.vector_load %arg12[%get3A_440, %get3A_441, %get3A_442] {strides = array<i32>} : memref<5x125x64xf32, #tpu.memory_space<vmem>>, vector<16xf32>,
      %mul3A_444 = arith.mulf %get3A_443, %gather3A : vector<16xf32>
      %add3A_445 = arith.addf %mul3A_444, %get3A_118 : vector<16xf32>
      %swap3A_446 = arith.constant 2 : i32
      %swap3A_447 = arith.index_cast %swap3A_446 : i32 to index
      %swap3A_448 = arith.index_cast %add3A_421 : i32 to index
      %swap3A_449 = arith.constant 16 : index
      %swap3A_450 = tpu.vector_load %arg12[%swap3A_447, %swap3A_448, %swap3A_449] {strides = array<i32>} : memref<5x125x64xf32, #tpu.memory_space<vmem>>, vector<16xf32>,
      tpu.vector_store %arg12[%swap3A_447, %swap3A_448, %swap3A_449], %add3A_445 {strides = array<i32>} : memref<5x125x64xf32, #tpu.memory_space<vmem>>, vector<16xf32>,
      %get3A_451 = arith.constant 2 : i32
      %get3A_452 = arith.index_cast %get3A_451 : i32 to index
      %get3A_453 = arith.index_cast %add3A_421 : i32 to index
      %get3A_454 = arith.constant 32 : index
      %get3A_455 = tpu.vector_load %arg12[%get3A_452, %get3A_453, %get3A_454] {strides = array<i32>} : memref<5x125x64xf32, #tpu.memory_space<vmem>>, vector<16xf32>,
      %mul3A_456 = arith.mulf %get3A_455, %gather3A : vector<16xf32>
      %add3A_457 = arith.addf %mul3A_456, %get3A_120 : vector<16xf32>
      %swap3A_458 = arith.constant 2 : i32
      %swap3A_459 = arith.index_cast %swap3A_458 : i32 to index
      %swap3A_460 = arith.index_cast %add3A_421 : i32 to index
      %swap3A_461 = arith.constant 32 : index
      %swap3A_462 = tpu.vector_load %arg12[%swap3A_459, %swap3A_460, %swap3A_461] {strides = array<i32>} : memref<5x125x64xf32, #tpu.memory_space<vmem>>, vector<16xf32>,
      tpu.vector_store %arg12[%swap3A_459, %swap3A_460, %swap3A_461], %add3A_457 {strides = array<i32>} : memref<5x125x64xf32, #tpu.memory_space<vmem>>, vector<16xf32>,
      %get3A_463 = arith.constant 2 : i32
      %get3A_464 = arith.index_cast %get3A_463 : i32 to index
      %get3A_465 = arith.index_cast %add3A_421 : i32 to index
      %get3A_466 = arith.constant 48 : index
      %get3A_467 = tpu.vector_load %arg12[%get3A_464, %get3A_465, %get3A_466] {strides = array<i32>} : memref<5x125x64xf32, #tpu.memory_space<vmem>>, vector<16xf32>,
      %mul3A_468 = arith.mulf %get3A_467, %gather3A : vector<16xf32>
      %add3A_469 = arith.addf %mul3A_468, %get3A_122 : vector<16xf32>
      %swap3A_470 = arith.constant 2 : i32
      %swap3A_471 = arith.index_cast %swap3A_470 : i32 to index
      %swap3A_472 = arith.index_cast %add3A_421 : i32 to index
      %swap3A_473 = arith.constant 48 : index
      %swap3A_474 = tpu.vector_load %arg12[%swap3A_471, %swap3A_472, %swap3A_473] {strides = array<i32>} : memref<5x125x64xf32, #tpu.memory_space<vmem>>, vector<16xf32>,
      tpu.vector_store %arg12[%swap3A_471, %swap3A_472, %swap3A_473], %add3A_469 {strides = array<i32>} : memref<5x125x64xf32, #tpu.memory_space<vmem>>, vector<16xf32>,
    }
    %scan3A_280 = arith.constant 125 : i32
    %add3A_281 = arith.constant 250 : i32
    %add3A_282 = arith.addi %mul3A_0, %add3A_281 : i32
    %mul3A_283 = arith.constant 64 : i32
    %mul3A_284 = arith.muli %arg0, %mul3A_283 : i32
    %dma_start3A_285 = arith.constant 2 : i32
    %dma_start3A_286 = arith.constant 0 : i32
    %dma_start3A_287 = arith.constant 0 : i32
    %dma_start3A_288 = tpu.memref_slice %arg12[%dma_start3A_285, %dma_start3A_286, %dma_start3A_287] : memref<5x125x64xf32, #tpu.memory_space<vmem>> -> memref<1x125x64xf32, #tpu.memory_space<vmem>>
    %dma_start3A_289 = tpu.memref_squeeze %dma_start3A_288 : memref<1x125x64xf32, #tpu.memory_space<vmem>> -> memref<125x64xf32, #tpu.memory_space<vmem>>
    %dma_start3A_290 = tpu.memref_slice %arg9[%add3A_282, %mul3A_284] : memref<10000x128xf32, #tpu.memory_space<hbm>> -> memref<125x64xf32, #tpu.memory_space<hbm>>
    %dma_start3A_291 = tpu.memref_slice %arg9[%add3A_282, %mul3A_284] : memref<10000x128xf32, #tpu.memory_space<hbm>> -> memref<125x64xf32, #tpu.memory_space<hbm>>
    %dma_start3A_292 = arith.constant 0 : i32
    %dma_start3A_293 = arith.constant 0 : i32
    %dma_start3A_294 = tpu.memref_slice %arg12[%dma_start3A_285, %dma_start3A_292, %dma_start3A_293] : memref<5x125x64xf32, #tpu.memory_space<vmem>> -> memref<1x125x64xf32, #tpu.memory_space<vmem>>
    %dma_start3A_295 = tpu.memref_squeeze %dma_start3A_294 : memref<1x125x64xf32, #tpu.memory_space<vmem>> -> memref<125x64xf32, #tpu.memory_space<vmem>>
    tpu.enqueue_dma source(%dma_start3A_295 : memref<125x64xf32, #tpu.memory_space<vmem>>) target(%dma_start3A_291 : memref<125x64xf32, #tpu.memory_space<hbm>>) target_semaphore(%arg23 : memref<!tpu.dma_semaphore, #tpu.memory_space<semaphore_mem>>)
    %dma_wait3A_296 = arith.constant 3 : i32
    %dma_wait3A_297 = arith.constant 0 : i32
    %dma_wait3A_298 = arith.constant 0 : i32
    %dma_wait3A_299 = tpu.memref_slice %arg12[%dma_wait3A_296, %dma_wait3A_297, %dma_wait3A_298] : memref<5x125x64xf32, #tpu.memory_space<vmem>> -> memref<1x125x64xf32, #tpu.memory_space<vmem>>
    %dma_wait3A_300 = tpu.memref_squeeze %dma_wait3A_299 : memref<1x125x64xf32, #tpu.memory_space<vmem>> -> memref<125x64xf32, #tpu.memory_space<vmem>>
    %dma_wait3A_301 = arith.constant 0 : i32
    %dma_wait3A_302 = tpu.memref_slice %arg15[%add3A_168, %dma_wait3A_301] : memref<10000x64xf32, #tpu.memory_space<vmem_shared>> -> memref<125x64xf32, #tpu.memory_space<vmem_shared>>
    %dma_wait3A_303 = arith.constant 0 : i32
    %dma_wait3A_304 = arith.constant 0 : i32
    %dma_wait3A_305 = tpu.memref_slice %arg12[%dma_wait3A_296, %dma_wait3A_303, %dma_wait3A_304] : memref<5x125x64xf32, #tpu.memory_space<vmem>> -> memref<1x125x64xf32, #tpu.memory_space<vmem>>
    %dma_wait3A_306 = tpu.memref_squeeze %dma_wait3A_305 : memref<1x125x64xf32, #tpu.memory_space<vmem>> -> memref<125x64xf32, #tpu.memory_space<vmem>>
    %dma_wait3A_307 = arith.constant 0 : i32
    %dma_wait3A_308 = tpu.memref_slice %arg15[%add3A_168, %dma_wait3A_307] : memref<10000x64xf32, #tpu.memory_space<vmem_shared>> -> memref<125x64xf32, #tpu.memory_space<vmem_shared>>
    tpu.wait_dma2 semaphore(%arg19 : memref<!tpu.dma_semaphore, #tpu.memory_space<semaphore_mem>>) src(%dma_wait3A_308 : memref<125x64xf32, #tpu.memory_space<vmem_shared>>) dst(%dma_wait3A_306 : memref<125x64xf32, #tpu.memory_space<vmem>>)
    %scan3A_309 = arith.constant 0 : i32
    %scan3A_310 = arith.constant 125 : i32
    %scan3A_311 = arith.addi %scan3A_309, %scan3A_310 : i32
    %scan3A_312 = arith.constant 1 : i32
    scf.for %scan3A_417 = %scan3A_309 to %scan3A_311 step %scan3A_312  : i32 {
      %mul3A_418 = arith.constant 1 : i32
      %mul3A_419 = arith.muli %scan3A_417, %mul3A_418 : i32
      %add3A_420 = arith.constant 0 : i32
      %add3A_421 = arith.addi %add3A_420, %mul3A_419 : i32
      %broadcast_in_dim3A = arith.constant 0 : i32
      %broadcast_in_dim3A_422 = vector.broadcast %broadcast_in_dim3A : i32 to vector<16xi32>
      %add3A_423 = arith.constant 375 : i32
      %add3A_424 = arith.addi %sub3A_115, %add3A_423 : i32
      %add3A_425 = arith.addi %add3A_424, %add3A_421 : i32
      %add3A_426 = vector.broadcast %add3A_425 : i32 to vector<16xi32>
      %add3A_427 = arith.addi %broadcast_in_dim3A_422, %add3A_426 : vector<16xi32>
      %gather3A = tpu.vector_load_idx %arg13[%add3A_427] : memref<640xf32, #tpu.memory_space<vmem>>[vector<16xi32>], vector<16xf32>,
      %get3A_428 = arith.constant 3 : i32
      %get3A_429 = arith.index_cast %get3A_428 : i32 to index
      %get3A_430 = arith.index_cast %add3A_421 : i32 to index
      %get3A_431 = arith.constant 0 : index
      %get3A_432 = tpu.vector_load %arg12[%get3A_429, %get3A_430, %get3A_431] {strides = array<i32>} : memref<5x125x64xf32, #tpu.memory_space<vmem>>, vector<16xf32>,
      %mul3A_433 = arith.mulf %get3A_432, %gather3A : vector<16xf32>
      %add3A_434 = arith.addf %mul3A_433, %get3A_116 : vector<16xf32>
      %swap3A = arith.constant 3 : i32
      %swap3A_435 = arith.index_cast %swap3A : i32 to index
      %swap3A_436 = arith.index_cast %add3A_421 : i32 to index
      %swap3A_437 = arith.constant 0 : index
      %swap3A_438 = tpu.vector_load %arg12[%swap3A_435, %swap3A_436, %swap3A_437] {strides = array<i32>} : memref<5x125x64xf32, #tpu.memory_space<vmem>>, vector<16xf32>,
      tpu.vector_store %arg12[%swap3A_435, %swap3A_436, %swap3A_437], %add3A_434 {strides = array<i32>} : memref<5x125x64xf32, #tpu.memory_space<vmem>>, vector<16xf32>,
      %get3A_439 = arith.constant 3 : i32
      %get3A_440 = arith.index_cast %get3A_439 : i32 to index
      %get3A_441 = arith.index_cast %add3A_421 : i32 to index
      %get3A_442 = arith.constant 16 : index
      %get3A_443 = tpu.vector_load %arg12[%get3A_440, %get3A_441, %get3A_442] {strides = array<i32>} : memref<5x125x64xf32, #tpu.memory_space<vmem>>, vector<16xf32>,
      %mul3A_444 = arith.mulf %get3A_443, %gather3A : vector<16xf32>
      %add3A_445 = arith.addf %mul3A_444, %get3A_118 : vector<16xf32>
      %swap3A_446 = arith.constant 3 : i32
      %swap3A_447 = arith.index_cast %swap3A_446 : i32 to index
      %swap3A_448 = arith.index_cast %add3A_421 : i32 to index
      %swap3A_449 = arith.constant 16 : index
      %swap3A_450 = tpu.vector_load %arg12[%swap3A_447, %swap3A_448, %swap3A_449] {strides = array<i32>} : memref<5x125x64xf32, #tpu.memory_space<vmem>>, vector<16xf32>,
      tpu.vector_store %arg12[%swap3A_447, %swap3A_448, %swap3A_449], %add3A_445 {strides = array<i32>} : memref<5x125x64xf32, #tpu.memory_space<vmem>>, vector<16xf32>,
      %get3A_451 = arith.constant 3 : i32
      %get3A_452 = arith.index_cast %get3A_451 : i32 to index
      %get3A_453 = arith.index_cast %add3A_421 : i32 to index
      %get3A_454 = arith.constant 32 : index
      %get3A_455 = tpu.vector_load %arg12[%get3A_452, %get3A_453, %get3A_454] {strides = array<i32>} : memref<5x125x64xf32, #tpu.memory_space<vmem>>, vector<16xf32>,
      %mul3A_456 = arith.mulf %get3A_455, %gather3A : vector<16xf32>
      %add3A_457 = arith.addf %mul3A_456, %get3A_120 : vector<16xf32>
      %swap3A_458 = arith.constant 3 : i32
      %swap3A_459 = arith.index_cast %swap3A_458 : i32 to index
      %swap3A_460 = arith.index_cast %add3A_421 : i32 to index
      %swap3A_461 = arith.constant 32 : index
      %swap3A_462 = tpu.vector_load %arg12[%swap3A_459, %swap3A_460, %swap3A_461] {strides = array<i32>} : memref<5x125x64xf32, #tpu.memory_space<vmem>>, vector<16xf32>,
      tpu.vector_store %arg12[%swap3A_459, %swap3A_460, %swap3A_461], %add3A_457 {strides = array<i32>} : memref<5x125x64xf32, #tpu.memory_space<vmem>>, vector<16xf32>,
      %get3A_463 = arith.constant 3 : i32
      %get3A_464 = arith.index_cast %get3A_463 : i32 to index
      %get3A_465 = arith.index_cast %add3A_421 : i32 to index
      %get3A_466 = arith.constant 48 : index
      %get3A_467 = tpu.vector_load %arg12[%get3A_464, %get3A_465, %get3A_466] {strides = array<i32>} : memref<5x125x64xf32, #tpu.memory_space<vmem>>, vector<16xf32>,
      %mul3A_468 = arith.mulf %get3A_467, %gather3A : vector<16xf32>
      %add3A_469 = arith.addf %mul3A_468, %get3A_122 : vector<16xf32>
      %swap3A_470 = arith.constant 3 : i32
      %swap3A_471 = arith.index_cast %swap3A_470 : i32 to index
      %swap3A_472 = arith.index_cast %add3A_421 : i32 to index
      %swap3A_473 = arith.constant 48 : index
      %swap3A_474 = tpu.vector_load %arg12[%swap3A_471, %swap3A_472, %swap3A_473] {strides = array<i32>} : memref<5x125x64xf32, #tpu.memory_space<vmem>>, vector<16xf32>,
      tpu.vector_store %arg12[%swap3A_471, %swap3A_472, %swap3A_473], %add3A_469 {strides = array<i32>} : memref<5x125x64xf32, #tpu.memory_space<vmem>>, vector<16xf32>,
    }
    %scan3A_313 = arith.constant 125 : i32
    %add3A_314 = arith.constant 375 : i32
    %add3A_315 = arith.addi %mul3A_0, %add3A_314 : i32
    %mul3A_316 = arith.constant 64 : i32
    %mul3A_317 = arith.muli %arg0, %mul3A_316 : i32
    %dma_start3A_318 = arith.constant 3 : i32
    %dma_start3A_319 = arith.constant 0 : i32
    %dma_start3A_320 = arith.constant 0 : i32
    %dma_start3A_321 = tpu.memref_slice %arg12[%dma_start3A_318, %dma_start3A_319, %dma_start3A_320] : memref<5x125x64xf32, #tpu.memory_space<vmem>> -> memref<1x125x64xf32, #tpu.memory_space<vmem>>
    %dma_start3A_322 = tpu.memref_squeeze %dma_start3A_321 : memref<1x125x64xf32, #tpu.memory_space<vmem>> -> memref<125x64xf32, #tpu.memory_space<vmem>>
    %dma_start3A_323 = tpu.memref_slice %arg9[%add3A_315, %mul3A_317] : memref<10000x128xf32, #tpu.memory_space<hbm>> -> memref<125x64xf32, #tpu.memory_space<hbm>>
    %dma_start3A_324 = tpu.memref_slice %arg9[%add3A_315, %mul3A_317] : memref<10000x128xf32, #tpu.memory_space<hbm>> -> memref<125x64xf32, #tpu.memory_space<hbm>>
    %dma_start3A_325 = arith.constant 0 : i32
    %dma_start3A_326 = arith.constant 0 : i32
    %dma_start3A_327 = tpu.memref_slice %arg12[%dma_start3A_318, %dma_start3A_325, %dma_start3A_326] : memref<5x125x64xf32, #tpu.memory_space<vmem>> -> memref<1x125x64xf32, #tpu.memory_space<vmem>>
    %dma_start3A_328 = tpu.memref_squeeze %dma_start3A_327 : memref<1x125x64xf32, #tpu.memory_space<vmem>> -> memref<125x64xf32, #tpu.memory_space<vmem>>
    tpu.enqueue_dma source(%dma_start3A_328 : memref<125x64xf32, #tpu.memory_space<vmem>>) target(%dma_start3A_324 : memref<125x64xf32, #tpu.memory_space<hbm>>) target_semaphore(%arg24 : memref<!tpu.dma_semaphore, #tpu.memory_space<semaphore_mem>>)
    %dma_wait3A_329 = arith.constant 4 : i32
    %dma_wait3A_330 = arith.constant 0 : i32
    %dma_wait3A_331 = arith.constant 0 : i32
    %dma_wait3A_332 = tpu.memref_slice %arg12[%dma_wait3A_329, %dma_wait3A_330, %dma_wait3A_331] : memref<5x125x64xf32, #tpu.memory_space<vmem>> -> memref<1x125x64xf32, #tpu.memory_space<vmem>>
    %dma_wait3A_333 = tpu.memref_squeeze %dma_wait3A_332 : memref<1x125x64xf32, #tpu.memory_space<vmem>> -> memref<125x64xf32, #tpu.memory_space<vmem>>
    %dma_wait3A_334 = arith.constant 0 : i32
    %dma_wait3A_335 = tpu.memref_slice %arg15[%add3A_183, %dma_wait3A_334] : memref<10000x64xf32, #tpu.memory_space<vmem_shared>> -> memref<125x64xf32, #tpu.memory_space<vmem_shared>>
    %dma_wait3A_336 = arith.constant 0 : i32
    %dma_wait3A_337 = arith.constant 0 : i32
    %dma_wait3A_338 = tpu.memref_slice %arg12[%dma_wait3A_329, %dma_wait3A_336, %dma_wait3A_337] : memref<5x125x64xf32, #tpu.memory_space<vmem>> -> memref<1x125x64xf32, #tpu.memory_space<vmem>>
    %dma_wait3A_339 = tpu.memref_squeeze %dma_wait3A_338 : memref<1x125x64xf32, #tpu.memory_space<vmem>> -> memref<125x64xf32, #tpu.memory_space<vmem>>
    %dma_wait3A_340 = arith.constant 0 : i32
    %dma_wait3A_341 = tpu.memref_slice %arg15[%add3A_183, %dma_wait3A_340] : memref<10000x64xf32, #tpu.memory_space<vmem_shared>> -> memref<125x64xf32, #tpu.memory_space<vmem_shared>>
    tpu.wait_dma2 semaphore(%arg20 : memref<!tpu.dma_semaphore, #tpu.memory_space<semaphore_mem>>) src(%dma_wait3A_341 : memref<125x64xf32, #tpu.memory_space<vmem_shared>>) dst(%dma_wait3A_339 : memref<125x64xf32, #tpu.memory_space<vmem>>)
    %scan3A_342 = arith.constant 0 : i32
    %scan3A_343 = arith.constant 125 : i32
    %scan3A_344 = arith.addi %scan3A_342, %scan3A_343 : i32
    %scan3A_345 = arith.constant 1 : i32
    scf.for %scan3A_417 = %scan3A_342 to %scan3A_344 step %scan3A_345  : i32 {
      %mul3A_418 = arith.constant 1 : i32
      %mul3A_419 = arith.muli %scan3A_417, %mul3A_418 : i32
      %add3A_420 = arith.constant 0 : i32
      %add3A_421 = arith.addi %add3A_420, %mul3A_419 : i32
      %broadcast_in_dim3A = arith.constant 0 : i32
      %broadcast_in_dim3A_422 = vector.broadcast %broadcast_in_dim3A : i32 to vector<16xi32>
      %add3A_423 = arith.constant 500 : i32
      %add3A_424 = arith.addi %sub3A_115, %add3A_423 : i32
      %add3A_425 = arith.addi %add3A_424, %add3A_421 : i32
      %add3A_426 = vector.broadcast %add3A_425 : i32 to vector<16xi32>
      %add3A_427 = arith.addi %broadcast_in_dim3A_422, %add3A_426 : vector<16xi32>
      %gather3A = tpu.vector_load_idx %arg13[%add3A_427] : memref<640xf32, #tpu.memory_space<vmem>>[vector<16xi32>], vector<16xf32>,
      %get3A_428 = arith.constant 4 : i32
      %get3A_429 = arith.index_cast %get3A_428 : i32 to index
      %get3A_430 = arith.index_cast %add3A_421 : i32 to index
      %get3A_431 = arith.constant 0 : index
      %get3A_432 = tpu.vector_load %arg12[%get3A_429, %get3A_430, %get3A_431] {strides = array<i32>} : memref<5x125x64xf32, #tpu.memory_space<vmem>>, vector<16xf32>,
      %mul3A_433 = arith.mulf %get3A_432, %gather3A : vector<16xf32>
      %add3A_434 = arith.addf %mul3A_433, %get3A_116 : vector<16xf32>
      %swap3A = arith.constant 4 : i32
      %swap3A_435 = arith.index_cast %swap3A : i32 to index
      %swap3A_436 = arith.index_cast %add3A_421 : i32 to index
      %swap3A_437 = arith.constant 0 : index
      %swap3A_438 = tpu.vector_load %arg12[%swap3A_435, %swap3A_436, %swap3A_437] {strides = array<i32>} : memref<5x125x64xf32, #tpu.memory_space<vmem>>, vector<16xf32>,
      tpu.vector_store %arg12[%swap3A_435, %swap3A_436, %swap3A_437], %add3A_434 {strides = array<i32>} : memref<5x125x64xf32, #tpu.memory_space<vmem>>, vector<16xf32>,
      %get3A_439 = arith.constant 4 : i32
      %get3A_440 = arith.index_cast %get3A_439 : i32 to index
      %get3A_441 = arith.index_cast %add3A_421 : i32 to index
      %get3A_442 = arith.constant 16 : index
      %get3A_443 = tpu.vector_load %arg12[%get3A_440, %get3A_441, %get3A_442] {strides = array<i32>} : memref<5x125x64xf32, #tpu.memory_space<vmem>>, vector<16xf32>,
      %mul3A_444 = arith.mulf %get3A_443, %gather3A : vector<16xf32>
      %add3A_445 = arith.addf %mul3A_444, %get3A_118 : vector<16xf32>
      %swap3A_446 = arith.constant 4 : i32
      %swap3A_447 = arith.index_cast %swap3A_446 : i32 to index
      %swap3A_448 = arith.index_cast %add3A_421 : i32 to index
      %swap3A_449 = arith.constant 16 : index
      %swap3A_450 = tpu.vector_load %arg12[%swap3A_447, %swap3A_448, %swap3A_449] {strides = array<i32>} : memref<5x125x64xf32, #tpu.memory_space<vmem>>, vector<16xf32>,
      tpu.vector_store %arg12[%swap3A_447, %swap3A_448, %swap3A_449], %add3A_445 {strides = array<i32>} : memref<5x125x64xf32, #tpu.memory_space<vmem>>, vector<16xf32>,
      %get3A_451 = arith.constant 4 : i32
      %get3A_452 = arith.index_cast %get3A_451 : i32 to index
      %get3A_453 = arith.index_cast %add3A_421 : i32 to index
      %get3A_454 = arith.constant 32 : index
      %get3A_455 = tpu.vector_load %arg12[%get3A_452, %get3A_453, %get3A_454] {strides = array<i32>} : memref<5x125x64xf32, #tpu.memory_space<vmem>>, vector<16xf32>,
      %mul3A_456 = arith.mulf %get3A_455, %gather3A : vector<16xf32>
      %add3A_457 = arith.addf %mul3A_456, %get3A_120 : vector<16xf32>
      %swap3A_458 = arith.constant 4 : i32
      %swap3A_459 = arith.index_cast %swap3A_458 : i32 to index
      %swap3A_460 = arith.index_cast %add3A_421 : i32 to index
      %swap3A_461 = arith.constant 32 : index
      %swap3A_462 = tpu.vector_load %arg12[%swap3A_459, %swap3A_460, %swap3A_461] {strides = array<i32>} : memref<5x125x64xf32, #tpu.memory_space<vmem>>, vector<16xf32>,
      tpu.vector_store %arg12[%swap3A_459, %swap3A_460, %swap3A_461], %add3A_457 {strides = array<i32>} : memref<5x125x64xf32, #tpu.memory_space<vmem>>, vector<16xf32>,
      %get3A_463 = arith.constant 4 : i32
      %get3A_464 = arith.index_cast %get3A_463 : i32 to index
      %get3A_465 = arith.index_cast %add3A_421 : i32 to index
      %get3A_466 = arith.constant 48 : index
      %get3A_467 = tpu.vector_load %arg12[%get3A_464, %get3A_465, %get3A_466] {strides = array<i32>} : memref<5x125x64xf32, #tpu.memory_space<vmem>>, vector<16xf32>,
      %mul3A_468 = arith.mulf %get3A_467, %gather3A : vector<16xf32>
      %add3A_469 = arith.addf %mul3A_468, %get3A_122 : vector<16xf32>
      %swap3A_470 = arith.constant 4 : i32
      %swap3A_471 = arith.index_cast %swap3A_470 : i32 to index
      %swap3A_472 = arith.index_cast %add3A_421 : i32 to index
      %swap3A_473 = arith.constant 48 : index
      %swap3A_474 = tpu.vector_load %arg12[%swap3A_471, %swap3A_472, %swap3A_473] {strides = array<i32>} : memref<5x125x64xf32, #tpu.memory_space<vmem>>, vector<16xf32>,
      tpu.vector_store %arg12[%swap3A_471, %swap3A_472, %swap3A_473], %add3A_469 {strides = array<i32>} : memref<5x125x64xf32, #tpu.memory_space<vmem>>, vector<16xf32>,
    }
    %scan3A_346 = arith.constant 125 : i32
    %add3A_347 = arith.constant 500 : i32
    %add3A_348 = arith.addi %mul3A_0, %add3A_347 : i32
    %mul3A_349 = arith.constant 64 : i32
    %mul3A_350 = arith.muli %arg0, %mul3A_349 : i32
    %dma_start3A_351 = arith.constant 4 : i32
    %dma_start3A_352 = arith.constant 0 : i32
    %dma_start3A_353 = arith.constant 0 : i32
    %dma_start3A_354 = tpu.memref_slice %arg12[%dma_start3A_351, %dma_start3A_352, %dma_start3A_353] : memref<5x125x64xf32, #tpu.memory_space<vmem>> -> memref<1x125x64xf32, #tpu.memory_space<vmem>>
    %dma_start3A_355 = tpu.memref_squeeze %dma_start3A_354 : memref<1x125x64xf32, #tpu.memory_space<vmem>> -> memref<125x64xf32, #tpu.memory_space<vmem>>
    %dma_start3A_356 = tpu.memref_slice %arg9[%add3A_348, %mul3A_350] : memref<10000x128xf32, #tpu.memory_space<hbm>> -> memref<125x64xf32, #tpu.memory_space<hbm>>
    %dma_start3A_357 = tpu.memref_slice %arg9[%add3A_348, %mul3A_350] : memref<10000x128xf32, #tpu.memory_space<hbm>> -> memref<125x64xf32, #tpu.memory_space<hbm>>
    %dma_start3A_358 = arith.constant 0 : i32
    %dma_start3A_359 = arith.constant 0 : i32
    %dma_start3A_360 = tpu.memref_slice %arg12[%dma_start3A_351, %dma_start3A_358, %dma_start3A_359] : memref<5x125x64xf32, #tpu.memory_space<vmem>> -> memref<1x125x64xf32, #tpu.memory_space<vmem>>
    %dma_start3A_361 = tpu.memref_squeeze %dma_start3A_360 : memref<1x125x64xf32, #tpu.memory_space<vmem>> -> memref<125x64xf32, #tpu.memory_space<vmem>>
    tpu.enqueue_dma source(%dma_start3A_361 : memref<125x64xf32, #tpu.memory_space<vmem>>) target(%dma_start3A_357 : memref<125x64xf32, #tpu.memory_space<hbm>>) target_semaphore(%arg25 : memref<!tpu.dma_semaphore, #tpu.memory_space<semaphore_mem>>)
    %dma_wait3A_362 = arith.constant 0 : i32
    %dma_wait3A_363 = arith.constant 0 : i32
    %dma_wait3A_364 = arith.constant 0 : i32
    %dma_wait3A_365 = tpu.memref_slice %arg12[%dma_wait3A_362, %dma_wait3A_363, %dma_wait3A_364] : memref<5x125x64xf32, #tpu.memory_space<vmem>> -> memref<1x125x64xf32, #tpu.memory_space<vmem>>
    %dma_wait3A_366 = tpu.memref_squeeze %dma_wait3A_365 : memref<1x125x64xf32, #tpu.memory_space<vmem>> -> memref<125x64xf32, #tpu.memory_space<vmem>>
    %dma_wait3A_367 = tpu.memref_slice %arg9[%add3A_216, %mul3A_218] : memref<10000x128xf32, #tpu.memory_space<hbm>> -> memref<125x64xf32, #tpu.memory_space<hbm>>
    %dma_wait3A_368 = tpu.memref_slice %arg9[%add3A_216, %mul3A_218] : memref<10000x128xf32, #tpu.memory_space<hbm>> -> memref<125x64xf32, #tpu.memory_space<hbm>>
    %dma_wait3A_369 = arith.constant 0 : i32
    %dma_wait3A_370 = arith.constant 0 : i32
    %dma_wait3A_371 = tpu.memref_slice %arg12[%dma_wait3A_362, %dma_wait3A_369, %dma_wait3A_370] : memref<5x125x64xf32, #tpu.memory_space<vmem>> -> memref<1x125x64xf32, #tpu.memory_space<vmem>>
    %dma_wait3A_372 = tpu.memref_squeeze %dma_wait3A_371 : memref<1x125x64xf32, #tpu.memory_space<vmem>> -> memref<125x64xf32, #tpu.memory_space<vmem>>
    tpu.wait_dma2 semaphore(%arg21 : memref<!tpu.dma_semaphore, #tpu.memory_space<semaphore_mem>>) src(%dma_wait3A_372 : memref<125x64xf32, #tpu.memory_space<vmem>>) dst(%dma_wait3A_368 : memref<125x64xf32, #tpu.memory_space<hbm>>)
    %dma_wait3A_373 = arith.constant 1 : i32
    %dma_wait3A_374 = arith.constant 0 : i32
    %dma_wait3A_375 = arith.constant 0 : i32
    %dma_wait3A_376 = tpu.memref_slice %arg12[%dma_wait3A_373, %dma_wait3A_374, %dma_wait3A_375] : memref<5x125x64xf32, #tpu.memory_space<vmem>> -> memref<1x125x64xf32, #tpu.memory_space<vmem>>
    %dma_wait3A_377 = tpu.memref_squeeze %dma_wait3A_376 : memref<1x125x64xf32, #tpu.memory_space<vmem>> -> memref<125x64xf32, #tpu.memory_space<vmem>>
    %dma_wait3A_378 = tpu.memref_slice %arg9[%add3A_249, %mul3A_251] : memref<10000x128xf32, #tpu.memory_space<hbm>> -> memref<125x64xf32, #tpu.memory_space<hbm>>
    %dma_wait3A_379 = tpu.memref_slice %arg9[%add3A_249, %mul3A_251] : memref<10000x128xf32, #tpu.memory_space<hbm>> -> memref<125x64xf32, #tpu.memory_space<hbm>>
    %dma_wait3A_380 = arith.constant 0 : i32
    %dma_wait3A_381 = arith.constant 0 : i32
    %dma_wait3A_382 = tpu.memref_slice %arg12[%dma_wait3A_373, %dma_wait3A_380, %dma_wait3A_381] : memref<5x125x64xf32, #tpu.memory_space<vmem>> -> memref<1x125x64xf32, #tpu.memory_space<vmem>>
    %dma_wait3A_383 = tpu.memref_squeeze %dma_wait3A_382 : memref<1x125x64xf32, #tpu.memory_space<vmem>> -> memref<125x64xf32, #tpu.memory_space<vmem>>
    tpu.wait_dma2 semaphore(%arg22 : memref<!tpu.dma_semaphore, #tpu.memory_space<semaphore_mem>>) src(%dma_wait3A_383 : memref<125x64xf32, #tpu.memory_space<vmem>>) dst(%dma_wait3A_379 : memref<125x64xf32, #tpu.memory_space<hbm>>)
    %dma_wait3A_384 = arith.constant 2 : i32
    %dma_wait3A_385 = arith.constant 0 : i32
    %dma_wait3A_386 = arith.constant 0 : i32
    %dma_wait3A_387 = tpu.memref_slice %arg12[%dma_wait3A_384, %dma_wait3A_385, %dma_wait3A_386] : memref<5x125x64xf32, #tpu.memory_space<vmem>> -> memref<1x125x64xf32, #tpu.memory_space<vmem>>
    %dma_wait3A_388 = tpu.memref_squeeze %dma_wait3A_387 : memref<1x125x64xf32, #tpu.memory_space<vmem>> -> memref<125x64xf32, #tpu.memory_space<vmem>>
    %dma_wait3A_389 = tpu.memref_slice %arg9[%add3A_282, %mul3A_284] : memref<10000x128xf32, #tpu.memory_space<hbm>> -> memref<125x64xf32, #tpu.memory_space<hbm>>
    %dma_wait3A_390 = tpu.memref_slice %arg9[%add3A_282, %mul3A_284] : memref<10000x128xf32, #tpu.memory_space<hbm>> -> memref<125x64xf32, #tpu.memory_space<hbm>>
    %dma_wait3A_391 = arith.constant 0 : i32
    %dma_wait3A_392 = arith.constant 0 : i32
    %dma_wait3A_393 = tpu.memref_slice %arg12[%dma_wait3A_384, %dma_wait3A_391, %dma_wait3A_392] : memref<5x125x64xf32, #tpu.memory_space<vmem>> -> memref<1x125x64xf32, #tpu.memory_space<vmem>>
    %dma_wait3A_394 = tpu.memref_squeeze %dma_wait3A_393 : memref<1x125x64xf32, #tpu.memory_space<vmem>> -> memref<125x64xf32, #tpu.memory_space<vmem>>
    tpu.wait_dma2 semaphore(%arg23 : memref<!tpu.dma_semaphore, #tpu.memory_space<semaphore_mem>>) src(%dma_wait3A_394 : memref<125x64xf32, #tpu.memory_space<vmem>>) dst(%dma_wait3A_390 : memref<125x64xf32, #tpu.memory_space<hbm>>)
    %dma_wait3A_395 = arith.constant 3 : i32
    %dma_wait3A_396 = arith.constant 0 : i32
    %dma_wait3A_397 = arith.constant 0 : i32
    %dma_wait3A_398 = tpu.memref_slice %arg12[%dma_wait3A_395, %dma_wait3A_396, %dma_wait3A_397] : memref<5x125x64xf32, #tpu.memory_space<vmem>> -> memref<1x125x64xf32, #tpu.memory_space<vmem>>
    %dma_wait3A_399 = tpu.memref_squeeze %dma_wait3A_398 : memref<1x125x64xf32, #tpu.memory_space<vmem>> -> memref<125x64xf32, #tpu.memory_space<vmem>>
    %dma_wait3A_400 = tpu.memref_slice %arg9[%add3A_315, %mul3A_317] : memref<10000x128xf32, #tpu.memory_space<hbm>> -> memref<125x64xf32, #tpu.memory_space<hbm>>
    %dma_wait3A_401 = tpu.memref_slice %arg9[%add3A_315, %mul3A_317] : memref<10000x128xf32, #tpu.memory_space<hbm>> -> memref<125x64xf32, #tpu.memory_space<hbm>>
    %dma_wait3A_402 = arith.constant 0 : i32
    %dma_wait3A_403 = arith.constant 0 : i32
    %dma_wait3A_404 = tpu.memref_slice %arg12[%dma_wait3A_395, %dma_wait3A_402, %dma_wait3A_403] : memref<5x125x64xf32, #tpu.memory_space<vmem>> -> memref<1x125x64xf32, #tpu.memory_space<vmem>>
    %dma_wait3A_405 = tpu.memref_squeeze %dma_wait3A_404 : memref<1x125x64xf32, #tpu.memory_space<vmem>> -> memref<125x64xf32, #tpu.memory_space<vmem>>
    tpu.wait_dma2 semaphore(%arg24 : memref<!tpu.dma_semaphore, #tpu.memory_space<semaphore_mem>>) src(%dma_wait3A_405 : memref<125x64xf32, #tpu.memory_space<vmem>>) dst(%dma_wait3A_401 : memref<125x64xf32, #tpu.memory_space<hbm>>)
    %dma_wait3A_406 = arith.constant 4 : i32
    %dma_wait3A_407 = arith.constant 0 : i32
    %dma_wait3A_408 = arith.constant 0 : i32
    %dma_wait3A_409 = tpu.memref_slice %arg12[%dma_wait3A_406, %dma_wait3A_407, %dma_wait3A_408] : memref<5x125x64xf32, #tpu.memory_space<vmem>> -> memref<1x125x64xf32, #tpu.memory_space<vmem>>
    %dma_wait3A_410 = tpu.memref_squeeze %dma_wait3A_409 : memref<1x125x64xf32, #tpu.memory_space<vmem>> -> memref<125x64xf32, #tpu.memory_space<vmem>>
    %dma_wait3A_411 = tpu.memref_slice %arg9[%add3A_348, %mul3A_350] : memref<10000x128xf32, #tpu.memory_space<hbm>> -> memref<125x64xf32, #tpu.memory_space<hbm>>
    %dma_wait3A_412 = tpu.memref_slice %arg9[%add3A_348, %mul3A_350] : memref<10000x128xf32, #tpu.memory_space<hbm>> -> memref<125x64xf32, #tpu.memory_space<hbm>>
    %dma_wait3A_413 = arith.constant 0 : i32
    %dma_wait3A_414 = arith.constant 0 : i32
    %dma_wait3A_415 = tpu.memref_slice %arg12[%dma_wait3A_406, %dma_wait3A_413, %dma_wait3A_414] : memref<5x125x64xf32, #tpu.memory_space<vmem>> -> memref<1x125x64xf32, #tpu.memory_space<vmem>>
    %dma_wait3A_416 = tpu.memref_squeeze %dma_wait3A_415 : memref<1x125x64xf32, #tpu.memory_space<vmem>> -> memref<125x64xf32, #tpu.memory_space<vmem>>
    tpu.wait_dma2 semaphore(%arg25 : memref<!tpu.dma_semaphore, #tpu.memory_space<semaphore_mem>>) src(%dma_wait3A_416 : memref<125x64xf32, #tpu.memory_space<vmem>>) dst(%dma_wait3A_412 : memref<125x64xf32, #tpu.memory_space<hbm>>)
    return
  }
}

#map = affine_map<(d0, d1) -> (0)>
module attributes {stable_mosaic.version = 14 : i64} {
  func.func @_deg_body(%arg0: i32, %arg1: i32, %arg2: memref<320000xi32, #tpu.memory_space<hbm>>, %arg3: memref<320000xf32, #tpu.memory_space<hbm>>, %arg4: memref<10000xi32, #tpu.memory_space<vmem>>, %arg5: memref<10000xf32, #tpu.memory_space<vmem>>, %arg6: memref<!tpu.dma_semaphore, #tpu.memory_space<semaphore_mem>>) attributes {dimension_semantics = [#tpu.dimension_semantics<core_parallel>, #tpu.dimension_semantics<subcore_parallel>], iteration_bounds = array<i64: 2, 16>, scalar_prefetch = 0 : i64, scratch_operands = 3 : i64, tpu.core_type = #tpu.core_type<sc_vector_subcore>, window_params = [{transform_indices = #map}, {transform_indices = #map}]} {
    %mul3A = arith.constant 16 : i32
    %mul3A_0 = arith.muli %arg0, %mul3A : i32
    %add3A = arith.addi %mul3A_0, %arg1 : i32
    %mul3A_1 = arith.constant 10000 : i32
    %mul3A_2 = arith.muli %add3A, %mul3A_1 : i32
    %dma_start3A = tpu.memref_slice %arg2[%mul3A_2] : memref<320000xi32, #tpu.memory_space<hbm>> -> memref<10000xi32, #tpu.memory_space<hbm>>
    %dma_start3A_3 = tpu.memref_slice %arg2[%mul3A_2] : memref<320000xi32, #tpu.memory_space<hbm>> -> memref<10000xi32, #tpu.memory_space<hbm>>
    tpu.enqueue_dma source(%dma_start3A_3 : memref<10000xi32, #tpu.memory_space<hbm>>) target(%arg4 : memref<10000xi32, #tpu.memory_space<vmem>>) target_semaphore(%arg6 : memref<!tpu.dma_semaphore, #tpu.memory_space<semaphore_mem>>)
    %broadcast_in_dim3A = arith.constant 0.000000e+00 : f32
    %broadcast_in_dim3A_4 = vector.broadcast %broadcast_in_dim3A : f32 to vector<16xf32>
    %scan3A = arith.constant 0 : i32
    %scan3A_5 = arith.constant 624 : i32
    %scan3A_6 = arith.addi %scan3A, %scan3A_5 : i32
    %scan3A_7 = arith.constant 8 : i32
    scf.for %scan3A_37 = %scan3A to %scan3A_6 step %scan3A_7  : i32 {
      %mul3A_38 = arith.constant 1 : i32
      %mul3A_39 = arith.muli %scan3A_37, %mul3A_38 : i32
      %add3A_40 = arith.constant 0 : i32
      %add3A_41 = arith.addi %add3A_40, %mul3A_39 : i32
      %mul3A_42 = arith.constant 16 : i32
      %mul3A_43 = arith.muli %add3A_41, %mul3A_42 : i32
      %swap3A_44 = arith.index_cast %mul3A_43 : i32 to index
      %swap3A_45 = tpu.vector_load %arg5[%swap3A_44] {strides = array<i32>} : memref<10000xf32, #tpu.memory_space<vmem>>, vector<16xf32>,
      tpu.vector_store %arg5[%swap3A_44], %broadcast_in_dim3A_4 {strides = array<i32>} : memref<10000xf32, #tpu.memory_space<vmem>>, vector<16xf32>,
      %scan3A_46 = arith.constant 1 : i32
      %scan3A_47 = arith.addi %scan3A_37, %scan3A_46 : i32
      %mul3A_48 = arith.constant 1 : i32
      %mul3A_49 = arith.muli %scan3A_47, %mul3A_48 : i32
      %add3A_50 = arith.constant 0 : i32
      %add3A_51 = arith.addi %add3A_50, %mul3A_49 : i32
      %mul3A_52 = arith.constant 16 : i32
      %mul3A_53 = arith.muli %add3A_51, %mul3A_52 : i32
      %swap3A_54 = arith.index_cast %mul3A_53 : i32 to index
      %swap3A_55 = tpu.vector_load %arg5[%swap3A_54] {strides = array<i32>} : memref<10000xf32, #tpu.memory_space<vmem>>, vector<16xf32>,
      tpu.vector_store %arg5[%swap3A_54], %broadcast_in_dim3A_4 {strides = array<i32>} : memref<10000xf32, #tpu.memory_space<vmem>>, vector<16xf32>,
      %scan3A_56 = arith.constant 2 : i32
      %scan3A_57 = arith.addi %scan3A_37, %scan3A_56 : i32
      %mul3A_58 = arith.constant 1 : i32
      %mul3A_59 = arith.muli %scan3A_57, %mul3A_58 : i32
      %add3A_60 = arith.constant 0 : i32
      %add3A_61 = arith.addi %add3A_60, %mul3A_59 : i32
      %mul3A_62 = arith.constant 16 : i32
      %mul3A_63 = arith.muli %add3A_61, %mul3A_62 : i32
      %swap3A_64 = arith.index_cast %mul3A_63 : i32 to index
      %swap3A_65 = tpu.vector_load %arg5[%swap3A_64] {strides = array<i32>} : memref<10000xf32, #tpu.memory_space<vmem>>, vector<16xf32>,
      tpu.vector_store %arg5[%swap3A_64], %broadcast_in_dim3A_4 {strides = array<i32>} : memref<10000xf32, #tpu.memory_space<vmem>>, vector<16xf32>,
      %scan3A_66 = arith.constant 3 : i32
      %scan3A_67 = arith.addi %scan3A_37, %scan3A_66 : i32
      %mul3A_68 = arith.constant 1 : i32
      %mul3A_69 = arith.muli %scan3A_67, %mul3A_68 : i32
      %add3A_70 = arith.constant 0 : i32
      %add3A_71 = arith.addi %add3A_70, %mul3A_69 : i32
      %mul3A_72 = arith.constant 16 : i32
      %mul3A_73 = arith.muli %add3A_71, %mul3A_72 : i32
      %swap3A_74 = arith.index_cast %mul3A_73 : i32 to index
      %swap3A_75 = tpu.vector_load %arg5[%swap3A_74] {strides = array<i32>} : memref<10000xf32, #tpu.memory_space<vmem>>, vector<16xf32>,
      tpu.vector_store %arg5[%swap3A_74], %broadcast_in_dim3A_4 {strides = array<i32>} : memref<10000xf32, #tpu.memory_space<vmem>>, vector<16xf32>,
      %scan3A_76 = arith.constant 4 : i32
      %scan3A_77 = arith.addi %scan3A_37, %scan3A_76 : i32
      %mul3A_78 = arith.constant 1 : i32
      %mul3A_79 = arith.muli %scan3A_77, %mul3A_78 : i32
      %add3A_80 = arith.constant 0 : i32
      %add3A_81 = arith.addi %add3A_80, %mul3A_79 : i32
      %mul3A_82 = arith.constant 16 : i32
      %mul3A_83 = arith.muli %add3A_81, %mul3A_82 : i32
      %swap3A_84 = arith.index_cast %mul3A_83 : i32 to index
      %swap3A_85 = tpu.vector_load %arg5[%swap3A_84] {strides = array<i32>} : memref<10000xf32, #tpu.memory_space<vmem>>, vector<16xf32>,
      tpu.vector_store %arg5[%swap3A_84], %broadcast_in_dim3A_4 {strides = array<i32>} : memref<10000xf32, #tpu.memory_space<vmem>>, vector<16xf32>,
      %scan3A_86 = arith.constant 5 : i32
      %scan3A_87 = arith.addi %scan3A_37, %scan3A_86 : i32
      %mul3A_88 = arith.constant 1 : i32
      %mul3A_89 = arith.muli %scan3A_87, %mul3A_88 : i32
      %add3A_90 = arith.constant 0 : i32
      %add3A_91 = arith.addi %add3A_90, %mul3A_89 : i32
      %mul3A_92 = arith.constant 16 : i32
      %mul3A_93 = arith.muli %add3A_91, %mul3A_92 : i32
      %swap3A_94 = arith.index_cast %mul3A_93 : i32 to index
      %swap3A_95 = tpu.vector_load %arg5[%swap3A_94] {strides = array<i32>} : memref<10000xf32, #tpu.memory_space<vmem>>, vector<16xf32>,
      tpu.vector_store %arg5[%swap3A_94], %broadcast_in_dim3A_4 {strides = array<i32>} : memref<10000xf32, #tpu.memory_space<vmem>>, vector<16xf32>,
      %scan3A_96 = arith.constant 6 : i32
      %scan3A_97 = arith.addi %scan3A_37, %scan3A_96 : i32
      %mul3A_98 = arith.constant 1 : i32
      %mul3A_99 = arith.muli %scan3A_97, %mul3A_98 : i32
      %add3A_100 = arith.constant 0 : i32
      %add3A_101 = arith.addi %add3A_100, %mul3A_99 : i32
      %mul3A_102 = arith.constant 16 : i32
      %mul3A_103 = arith.muli %add3A_101, %mul3A_102 : i32
      %swap3A_104 = arith.index_cast %mul3A_103 : i32 to index
      %swap3A_105 = tpu.vector_load %arg5[%swap3A_104] {strides = array<i32>} : memref<10000xf32, #tpu.memory_space<vmem>>, vector<16xf32>,
      tpu.vector_store %arg5[%swap3A_104], %broadcast_in_dim3A_4 {strides = array<i32>} : memref<10000xf32, #tpu.memory_space<vmem>>, vector<16xf32>,
      %scan3A_106 = arith.constant 7 : i32
      %scan3A_107 = arith.addi %scan3A_37, %scan3A_106 : i32
      %mul3A_108 = arith.constant 1 : i32
      %mul3A_109 = arith.muli %scan3A_107, %mul3A_108 : i32
      %add3A_110 = arith.constant 0 : i32
      %add3A_111 = arith.addi %add3A_110, %mul3A_109 : i32
      %mul3A_112 = arith.constant 16 : i32
      %mul3A_113 = arith.muli %add3A_111, %mul3A_112 : i32
      %swap3A_114 = arith.index_cast %mul3A_113 : i32 to index
      %swap3A_115 = tpu.vector_load %arg5[%swap3A_114] {strides = array<i32>} : memref<10000xf32, #tpu.memory_space<vmem>>, vector<16xf32>,
      tpu.vector_store %arg5[%swap3A_114], %broadcast_in_dim3A_4 {strides = array<i32>} : memref<10000xf32, #tpu.memory_space<vmem>>, vector<16xf32>,
    }
    %scan3A_8 = arith.constant 624 : i32
    %scan3A_9 = arith.addi %scan3A, %scan3A_8 : i32
    %mul3A_10 = arith.constant 1 : i32
    %mul3A_11 = arith.muli %scan3A_9, %mul3A_10 : i32
    %add3A_12 = arith.constant 0 : i32
    %add3A_13 = arith.addi %add3A_12, %mul3A_11 : i32
    %mul3A_14 = arith.constant 16 : i32
    %mul3A_15 = arith.muli %add3A_13, %mul3A_14 : i32
    %swap3A = arith.index_cast %mul3A_15 : i32 to index
    %swap3A_16 = tpu.vector_load %arg5[%swap3A] {strides = array<i32>} : memref<10000xf32, #tpu.memory_space<vmem>>, vector<16xf32>,
    tpu.vector_store %arg5[%swap3A], %broadcast_in_dim3A_4 {strides = array<i32>} : memref<10000xf32, #tpu.memory_space<vmem>>, vector<16xf32>,
    %scan3A_17 = arith.constant 625 : i32
    %dma_wait3A = tpu.memref_slice %arg2[%mul3A_2] : memref<320000xi32, #tpu.memory_space<hbm>> -> memref<10000xi32, #tpu.memory_space<hbm>>
    %dma_wait3A_18 = tpu.memref_slice %arg2[%mul3A_2] : memref<320000xi32, #tpu.memory_space<hbm>> -> memref<10000xi32, #tpu.memory_space<hbm>>
    tpu.wait_dma2 semaphore(%arg6 : memref<!tpu.dma_semaphore, #tpu.memory_space<semaphore_mem>>) src(%dma_wait3A_18 : memref<10000xi32, #tpu.memory_space<hbm>>) dst(%arg4 : memref<10000xi32, #tpu.memory_space<vmem>>)
    %broadcast_in_dim3A_19 = arith.constant 1.000000e+00 : f32
    %broadcast_in_dim3A_20 = vector.broadcast %broadcast_in_dim3A_19 : f32 to vector<16xf32>
    %scan3A_21 = arith.constant 0 : i32
    %scan3A_22 = arith.constant 624 : i32
    %scan3A_23 = arith.addi %scan3A_21, %scan3A_22 : i32
    %scan3A_24 = arith.constant 8 : i32
    scf.for %scan3A_37 = %scan3A_21 to %scan3A_23 step %scan3A_24  : i32 {
      %mul3A_38 = arith.constant 1 : i32
      %mul3A_39 = arith.muli %scan3A_37, %mul3A_38 : i32
      %add3A_40 = arith.constant 0 : i32
      %add3A_41 = arith.addi %add3A_40, %mul3A_39 : i32
      %mul3A_42 = arith.constant 16 : i32
      %mul3A_43 = arith.muli %add3A_41, %mul3A_42 : i32
      %get3A_44 = arith.index_cast %mul3A_43 : i32 to index
      %get3A_45 = tpu.vector_load %arg4[%get3A_44] {strides = array<i32>} : memref<10000xi32, #tpu.memory_space<vmem>>, vector<16xi32>,
      tpu.vector_store_idx %arg5[%get3A_45], %broadcast_in_dim3A_20 {add = true} : memref<10000xf32, #tpu.memory_space<vmem>>[vector<16xi32>], vector<16xf32>,
      %scan3A_46 = arith.constant 1 : i32
      %scan3A_47 = arith.addi %scan3A_37, %scan3A_46 : i32
      %mul3A_48 = arith.constant 1 : i32
      %mul3A_49 = arith.muli %scan3A_47, %mul3A_48 : i32
      %add3A_50 = arith.constant 0 : i32
      %add3A_51 = arith.addi %add3A_50, %mul3A_49 : i32
      %mul3A_52 = arith.constant 16 : i32
      %mul3A_53 = arith.muli %add3A_51, %mul3A_52 : i32
      %get3A_54 = arith.index_cast %mul3A_53 : i32 to index
      %get3A_55 = tpu.vector_load %arg4[%get3A_54] {strides = array<i32>} : memref<10000xi32, #tpu.memory_space<vmem>>, vector<16xi32>,
      tpu.vector_store_idx %arg5[%get3A_55], %broadcast_in_dim3A_20 {add = true} : memref<10000xf32, #tpu.memory_space<vmem>>[vector<16xi32>], vector<16xf32>,
      %scan3A_56 = arith.constant 2 : i32
      %scan3A_57 = arith.addi %scan3A_37, %scan3A_56 : i32
      %mul3A_58 = arith.constant 1 : i32
      %mul3A_59 = arith.muli %scan3A_57, %mul3A_58 : i32
      %add3A_60 = arith.constant 0 : i32
      %add3A_61 = arith.addi %add3A_60, %mul3A_59 : i32
      %mul3A_62 = arith.constant 16 : i32
      %mul3A_63 = arith.muli %add3A_61, %mul3A_62 : i32
      %get3A_64 = arith.index_cast %mul3A_63 : i32 to index
      %get3A_65 = tpu.vector_load %arg4[%get3A_64] {strides = array<i32>} : memref<10000xi32, #tpu.memory_space<vmem>>, vector<16xi32>,
      tpu.vector_store_idx %arg5[%get3A_65], %broadcast_in_dim3A_20 {add = true} : memref<10000xf32, #tpu.memory_space<vmem>>[vector<16xi32>], vector<16xf32>,
      %scan3A_66 = arith.constant 3 : i32
      %scan3A_67 = arith.addi %scan3A_37, %scan3A_66 : i32
      %mul3A_68 = arith.constant 1 : i32
      %mul3A_69 = arith.muli %scan3A_67, %mul3A_68 : i32
      %add3A_70 = arith.constant 0 : i32
      %add3A_71 = arith.addi %add3A_70, %mul3A_69 : i32
      %mul3A_72 = arith.constant 16 : i32
      %mul3A_73 = arith.muli %add3A_71, %mul3A_72 : i32
      %get3A_74 = arith.index_cast %mul3A_73 : i32 to index
      %get3A_75 = tpu.vector_load %arg4[%get3A_74] {strides = array<i32>} : memref<10000xi32, #tpu.memory_space<vmem>>, vector<16xi32>,
      tpu.vector_store_idx %arg5[%get3A_75], %broadcast_in_dim3A_20 {add = true} : memref<10000xf32, #tpu.memory_space<vmem>>[vector<16xi32>], vector<16xf32>,
      %scan3A_76 = arith.constant 4 : i32
      %scan3A_77 = arith.addi %scan3A_37, %scan3A_76 : i32
      %mul3A_78 = arith.constant 1 : i32
      %mul3A_79 = arith.muli %scan3A_77, %mul3A_78 : i32
      %add3A_80 = arith.constant 0 : i32
      %add3A_81 = arith.addi %add3A_80, %mul3A_79 : i32
      %mul3A_82 = arith.constant 16 : i32
      %mul3A_83 = arith.muli %add3A_81, %mul3A_82 : i32
      %get3A_84 = arith.index_cast %mul3A_83 : i32 to index
      %get3A_85 = tpu.vector_load %arg4[%get3A_84] {strides = array<i32>} : memref<10000xi32, #tpu.memory_space<vmem>>, vector<16xi32>,
      tpu.vector_store_idx %arg5[%get3A_85], %broadcast_in_dim3A_20 {add = true} : memref<10000xf32, #tpu.memory_space<vmem>>[vector<16xi32>], vector<16xf32>,
      %scan3A_86 = arith.constant 5 : i32
      %scan3A_87 = arith.addi %scan3A_37, %scan3A_86 : i32
      %mul3A_88 = arith.constant 1 : i32
      %mul3A_89 = arith.muli %scan3A_87, %mul3A_88 : i32
      %add3A_90 = arith.constant 0 : i32
      %add3A_91 = arith.addi %add3A_90, %mul3A_89 : i32
      %mul3A_92 = arith.constant 16 : i32
      %mul3A_93 = arith.muli %add3A_91, %mul3A_92 : i32
      %get3A_94 = arith.index_cast %mul3A_93 : i32 to index
      %get3A_95 = tpu.vector_load %arg4[%get3A_94] {strides = array<i32>} : memref<10000xi32, #tpu.memory_space<vmem>>, vector<16xi32>,
      tpu.vector_store_idx %arg5[%get3A_95], %broadcast_in_dim3A_20 {add = true} : memref<10000xf32, #tpu.memory_space<vmem>>[vector<16xi32>], vector<16xf32>,
      %scan3A_96 = arith.constant 6 : i32
      %scan3A_97 = arith.addi %scan3A_37, %scan3A_96 : i32
      %mul3A_98 = arith.constant 1 : i32
      %mul3A_99 = arith.muli %scan3A_97, %mul3A_98 : i32
      %add3A_100 = arith.constant 0 : i32
      %add3A_101 = arith.addi %add3A_100, %mul3A_99 : i32
      %mul3A_102 = arith.constant 16 : i32
      %mul3A_103 = arith.muli %add3A_101, %mul3A_102 : i32
      %get3A_104 = arith.index_cast %mul3A_103 : i32 to index
      %get3A_105 = tpu.vector_load %arg4[%get3A_104] {strides = array<i32>} : memref<10000xi32, #tpu.memory_space<vmem>>, vector<16xi32>,
      tpu.vector_store_idx %arg5[%get3A_105], %broadcast_in_dim3A_20 {add = true} : memref<10000xf32, #tpu.memory_space<vmem>>[vector<16xi32>], vector<16xf32>,
      %scan3A_106 = arith.constant 7 : i32
      %scan3A_107 = arith.addi %scan3A_37, %scan3A_106 : i32
      %mul3A_108 = arith.constant 1 : i32
      %mul3A_109 = arith.muli %scan3A_107, %mul3A_108 : i32
      %add3A_110 = arith.constant 0 : i32
      %add3A_111 = arith.addi %add3A_110, %mul3A_109 : i32
      %mul3A_112 = arith.constant 16 : i32
      %mul3A_113 = arith.muli %add3A_111, %mul3A_112 : i32
      %get3A_114 = arith.index_cast %mul3A_113 : i32 to index
      %get3A_115 = tpu.vector_load %arg4[%get3A_114] {strides = array<i32>} : memref<10000xi32, #tpu.memory_space<vmem>>, vector<16xi32>,
      tpu.vector_store_idx %arg5[%get3A_115], %broadcast_in_dim3A_20 {add = true} : memref<10000xf32, #tpu.memory_space<vmem>>[vector<16xi32>], vector<16xf32>,
    }
    %scan3A_25 = arith.constant 624 : i32
    %scan3A_26 = arith.addi %scan3A_21, %scan3A_25 : i32
    %mul3A_27 = arith.constant 1 : i32
    %mul3A_28 = arith.muli %scan3A_26, %mul3A_27 : i32
    %add3A_29 = arith.constant 0 : i32
    %add3A_30 = arith.addi %add3A_29, %mul3A_28 : i32
    %mul3A_31 = arith.constant 16 : i32
    %mul3A_32 = arith.muli %add3A_30, %mul3A_31 : i32
    %get3A = arith.index_cast %mul3A_32 : i32 to index
    %get3A_33 = tpu.vector_load %arg4[%get3A] {strides = array<i32>} : memref<10000xi32, #tpu.memory_space<vmem>>, vector<16xi32>,
    tpu.vector_store_idx %arg5[%get3A_33], %broadcast_in_dim3A_20 {add = true} : memref<10000xf32, #tpu.memory_space<vmem>>[vector<16xi32>], vector<16xf32>,
    %scan3A_34 = arith.constant 625 : i32
    %mul3A_35 = arith.constant 10000 : i32
    %mul3A_36 = arith.muli %add3A, %mul3A_35 : i32
    "tpu.region"() ({
      %run_scoped3A = tpu.sem_alloc : memref<!tpu.dma_semaphore, #tpu.memory_space<semaphore_mem>>
      %dma_start3A_37 = tpu.memref_slice %arg3[%mul3A_36] : memref<320000xf32, #tpu.memory_space<hbm>> -> memref<10000xf32, #tpu.memory_space<hbm>>
      %dma_start3A_38 = tpu.memref_slice %arg3[%mul3A_36] : memref<320000xf32, #tpu.memory_space<hbm>> -> memref<10000xf32, #tpu.memory_space<hbm>>
      tpu.enqueue_dma source(%arg5 : memref<10000xf32, #tpu.memory_space<vmem>>) target(%dma_start3A_38 : memref<10000xf32, #tpu.memory_space<hbm>>) target_semaphore(%run_scoped3A : memref<!tpu.dma_semaphore, #tpu.memory_space<semaphore_mem>>)
      %dma_wait3A_39 = tpu.memref_slice %arg3[%mul3A_36] : memref<320000xf32, #tpu.memory_space<hbm>> -> memref<10000xf32, #tpu.memory_space<hbm>>
      %dma_wait3A_40 = tpu.memref_slice %arg3[%mul3A_36] : memref<320000xf32, #tpu.memory_space<hbm>> -> memref<10000xf32, #tpu.memory_space<hbm>>
      tpu.wait_dma2 semaphore(%run_scoped3A : memref<!tpu.dma_semaphore, #tpu.memory_space<semaphore_mem>>) src(%arg5 : memref<10000xf32, #tpu.memory_space<vmem>>) dst(%dma_wait3A_40 : memref<10000xf32, #tpu.memory_space<hbm>>)
      tpu.yield
    }) : () -> ()
    return
  }
}

module attributes {stable_mosaic.version = 14 : i64} {
  func.func @_mm_body(%arg0: memref<10000x128xf32, #tpu.memory_space<vmem>>, %arg1: memref<128x128xf32, #tpu.memory_space<vmem>>, %arg2: memref<32x10000xf32, #tpu.memory_space<vmem>>, %arg3: memref<2560x125xi32, #tpu.memory_space<vmem>>, %arg4: memref<10000x128xf32, #tpu.memory_space<vmem>>, %arg5: memref<1x10000xf32, #tpu.memory_space<vmem>>, %arg6: memref<2560x125xi32, #tpu.memory_space<vmem>>, %arg7: memref<2560x125xi32, #tpu.memory_space<vmem>>) attributes {dimension_semantics = [], scalar_prefetch = 0 : i64, scratch_operands = 0 : i64, tpu.core_type = #tpu.core_type<tc>} {
    %get3A = arith.constant 0 : index
    %get3A_0 = arith.constant 0 : index
    %get3A_1 = vector.load %arg2[%get3A, %get3A_0] : memref<32x10000xf32, #tpu.memory_space<vmem>>, vector<32x10000xf32>
    %reduce_sum3A = arith.constant dense<0.000000e+00> : vector<10000xf32>
    %reduce_sum3A_2 = vector.multi_reduction <add>, %get3A_1, %reduce_sum3A [0] : vector<32x10000xf32> to vector<10000xf32>
    %max3A = arith.constant 1.000000e+00 : f32
    %max3A_3 = vector.broadcast %max3A : f32 to vector<10000xf32>
    %max3A_4 = arith.maximumf %reduce_sum3A_2, %max3A_3 : vector<10000xf32>
    %rsqrt3A = math.rsqrt %max3A_4 : vector<10000xf32>
    %get3A_5 = arith.constant 0 : index
    %get3A_6 = arith.constant 0 : index
    %get3A_7 = vector.load %arg0[%get3A_5, %get3A_6] : memref<10000x128xf32, #tpu.memory_space<vmem>>, vector<10000x128xf32>
    %get3A_8 = arith.constant 0 : index
    %get3A_9 = arith.constant 0 : index
    %get3A_10 = vector.load %arg1[%get3A_8, %get3A_9] : memref<128x128xf32, #tpu.memory_space<vmem>>, vector<128x128xf32>
    %dot_general3A = arith.constant dense<0.000000e+00> : vector<10000x128xf32>
    %dot_general3A_11 = tpu.matmul %get3A_7, %get3A_10, %dot_general3A {dimension_numbers = #tpu.dot_dimension_numbers<[1], [0], [0], [1], [0, 0, 1, 1], [], []>, transpose_lhs_hint = false} : vector<10000x128xf32>, vector<128x128xf32>, vector<10000x128xf32> -> vector<10000x128xf32>
    %broadcast_in_dim3A = vector.shape_cast %rsqrt3A : vector<10000xf32> to vector<10000x1xf32>
    %mul3A = vector.broadcast %broadcast_in_dim3A : vector<10000x1xf32> to vector<10000x128xf32>
    %mul3A_12 = arith.mulf %dot_general3A_11, %mul3A : vector<10000x128xf32>
    %swap3A = arith.constant 0 : index
    %swap3A_13 = arith.constant 0 : index
    %swap3A_14 = vector.load %arg4[%swap3A, %swap3A_13] : memref<10000x128xf32, #tpu.memory_space<vmem>>, vector<10000x128xf32>
    tpu.vector_store %arg4[%swap3A, %swap3A_13], %mul3A_12 {strides = array<i32>} : memref<10000x128xf32, #tpu.memory_space<vmem>>, vector<10000x128xf32>,
    %reshape3A = vector.shape_cast %rsqrt3A : vector<10000xf32> to vector<1x10000xf32>
    %swap3A_15 = arith.constant 0 : index
    %swap3A_16 = arith.constant 0 : index
    %swap3A_17 = vector.load %arg5[%swap3A_15, %swap3A_16] : memref<1x10000xf32, #tpu.memory_space<vmem>>, vector<1x10000xf32>
    tpu.vector_store %arg5[%swap3A_15, %swap3A_16], %reshape3A {strides = array<i32>} : memref<1x10000xf32, #tpu.memory_space<vmem>>, vector<1x10000xf32>,
    %get3A_18 = arith.constant 0 : index
    %get3A_19 = arith.constant 0 : index
    %get3A_20 = vector.load %arg3[%get3A_18, %get3A_19] : memref<2560x125xi32, #tpu.memory_space<vmem>>, vector<2560x125xi32>
    %mul3A_21 = arith.constant 2 : i32
    %mul3A_22 = vector.broadcast %mul3A_21 : i32 to vector<2560x125xi32>
    %mul3A_23 = arith.muli %get3A_20, %mul3A_22 : vector<2560x125xi32>
    %swap3A_24 = arith.constant 0 : index
    %swap3A_25 = arith.constant 0 : index
    %swap3A_26 = vector.load %arg6[%swap3A_24, %swap3A_25] : memref<2560x125xi32, #tpu.memory_space<vmem>>, vector<2560x125xi32>
    tpu.vector_store %arg6[%swap3A_24, %swap3A_25], %mul3A_23 {strides = array<i32>} : memref<2560x125xi32, #tpu.memory_space<vmem>>, vector<2560x125xi32>,
    %get3A_27 = arith.constant 0 : index
    %get3A_28 = arith.constant 0 : index
    %get3A_29 = vector.load %arg3[%get3A_27, %get3A_28] : memref<2560x125xi32, #tpu.memory_space<vmem>>, vector<2560x125xi32>
    %mul3A_30 = arith.constant 2 : i32
    %mul3A_31 = vector.broadcast %mul3A_30 : i32 to vector<2560x125xi32>
    %mul3A_32 = arith.muli %get3A_29, %mul3A_31 : vector<2560x125xi32>
    %add3A = arith.constant 1 : i32
    %add3A_33 = vector.broadcast %add3A : i32 to vector<2560x125xi32>
    %add3A_34 = arith.addi %mul3A_32, %add3A_33 : vector<2560x125xi32>
    %swap3A_35 = arith.constant 0 : index
    %swap3A_36 = arith.constant 0 : index
    %swap3A_37 = vector.load %arg7[%swap3A_35, %swap3A_36] : memref<2560x125xi32, #tpu.memory_space<vmem>>, vector<2560x125xi32>
    tpu.vector_store %arg7[%swap3A_35, %swap3A_36], %add3A_34 {strides = array<i32>} : memref<2560x125xi32, #tpu.memory_space<vmem>>, vector<2560x125xi32>,
    return
  }
}

</mosaic_0001>

<sc_bundles>
// kernel: kernel.5.cloned.1.call-start
scs
__scs_entry_jumppad:
0x0: {  	(pc) =	sbr.rel $0x88, $3  }
0x1: {  	(tag) =	ssettag $0x0;
	lr =	simm.s32 $0x1  }
0x2: {  	[smem:$0x3F9D] =	sst lr;
	_ =	strace $0xD0000000  }
0x3: {  	_ = 	snop  }
0x4: {  	_ = 	snop  }
0x5: {  	_ = 	snop  }
0x6: {  	_ = 	snop  }
0x7: {  	_ = 	snop  }
__scs_overlays_trampoline_lowered:
0x8: {  	[smem:$0x3FAC] =	sst s0  }
0x9: {  	[smem:$0x3FAD] =	sst s1  }
0xa: {  	[smem:$0x3FAE] =	sst s2  }
0xb: {  	[smem:$0x3FAF] =	sst s3  }
0xc: {  	[smem:$0x3FB0] =	sst s4  }
0xd: {  	[smem:$0x3FB1] =	sst s5  }
0xe: {  	[smem:$0x3FB2] =	sst s6  }
0xf: {  	[smem:$0x3FB3] =	sst s7  }
0x10: {  	[smem:$0x3FB4] =	sst s8  }
0x11: {  	[smem:$0x3FB5] =	sst s9;
	s0 =	simm.s32 @!p0 $0x0  }
0x12: {  	s1 =	sld [smem:$0x3F9B];
	s0 =	simm.s32 @p0 $0x1  }
0x13: {  	[smem:$0x3FB6] =	sst s0;
	s0 =	simm.s32 @!p1 $0x0  }
0x14: {  	s2 =	sld [smem:$0x3F9A];
	s0 =	simm.s32 @p1 $0x1  }
0x15: {  	[smem:$0x3FB7] =	sst s0;
	s0 =	simm.s32 @!p2 $0x0  }
0x16: {  	s3 =	sld [smem:$0x3FDB];
	s0 =	simm.s32 @p2 $0x1  }
0x17: {  	s4 =	simm.s32 $0x1BF5;
	[smem:$0x3FB9] =	sst s0  }
0x18: {  	s0 =	sld [smem:$0x3F9C];
	_ =	swait.ge [sflag:s4], $0x0  }
0x19: {  	s7 =	sld [smem:$0x3F9D]  }
0x1a: {  	s8 =	sadd.s32 $0xFFFFE003, lr  }
0x1b: {  	s9 =	sadd.s32 $0xFFFFFEF7, lr;
	s5 =	simm.s32 $0xFFFFFFFF;
	p2 =	slt.u32 s8, $0xFFFFF086  }
0x1c: {  	p1 =	slt.u32 s9, $0xF7A;
	s5 =	simm.s32 @!p2 $0x0  }
0x1d: {  	s5 =	simm.s32 @p1 $0x1;
	p0 =	seq.s32 s7, s2  }
0x1e: {  	s7 =	smul.u32 @!p0 $0xF7A, s2;
	p2 =	seq.s32 @!p0 s5, $0x0  }
0x1f: {  	s9 =	smul.u32 $0xF7A, s1;
	s8 =	simm.s32 @!p0 $0x1BF5;
	p2 =	por !p2, p0  }
0x20: {  	[sflag:s8] =	ssyncset.s32 @!p0 $0xFFFFF086;
	s6 =	sadd.s32 @!p0 s3, s7;
	s7 =	simm.s32 @!p0 $0x108  }
0x21: {  	s3 =	sadd.s32 s3, s9;
	s6 =	sadd.s32 @!p0 $0x88, s6;
	s7 =	simm.s32 @p2 $0x1082  }
0x22: {  	[simem:s7], [sflag:s8] =	dma.local @!p0 [hbm:s6], $0xF7A  }
0x23: {  	s9 =	sor.u32 $0xD0000000, s2;
	s6 =	simm.s32 $0x108;
	_ =	swait.ge @!p0 [sflag:s8], $0x0  }
0x24: {  	s3 =	sadd.s32 $0x88, s3;
	s6 =	simm.s32 @!p1 $0x1082;
	[sflag:s4] =	ssyncset.s32 $0xFFFFF086  }
0x25: {  	[simem:s6], [sflag:s4] =	dma.local [hbm:s3], $0xF7A  }
0x26: {  	[smem:$0x3F9D] =	sst s1;
	(tag) =	ssettag s2;
	_ =	strace s9  }
0x27: {  	s1 =	sld [smem:$0x3FAD]  }
0x28: {  	s2 =	sld [smem:$0x3FAE]  }
0x29: {  	s4 =	sld [smem:$0x3FB0]  }
0x2a: {  	p0 =	seq.s32 s5, $0x0;
	s5 =	sld [smem:$0x3FB1]  }
0x2b: {  	s6 =	sld [smem:$0x3FB2]  }
0x2c: {  	s7 =	sld [smem:$0x3FB3]  }
0x2d: {  	s3 =	simm.s32 $0x108;
	s8 =	sld [smem:$0x3FB4]  }
0x2e: {  	s3 =	simm.s32 @!p0 $0x1082;
	s9 =	sld [smem:$0x3FB5]  }
0x2f: {  	lr =	sadd.s32 s0, s3;
	s0 =	sld [smem:$0x3FAC]  }
0x30: {  	s3 =	sld [smem:$0x3FAF]  }
0x31: {  	[smem:$0x3FB8] =	sst s10  }
0x32: {  	s10 =	sld [smem:$0x3FB6];
	_ =	sdelay $0x3  }
0x33: {  	p0 =	seq.s32 s10, $0x1;
	s10 =	sld [smem:$0x3FB8];
	_ =	sdelay $0x3  }
0x34: {  	[smem:$0x3FB8] =	sst s10  }
0x35: {  	s10 =	sld [smem:$0x3FB7];
	_ =	sdelay $0x3  }
0x36: {  	p1 =	seq.s32 s10, $0x1;
	s10 =	sld [smem:$0x3FB8];
	_ =	sdelay $0x3  }
0x37: {  	[smem:$0x3FB8] =	sst s10  }
0x38: {  	s10 =	sld [smem:$0x3FB9]  }
0x39: {  	_ = 	snop;
	(pc) =	sbr.ind lr, $3  }
0x3a: {  	_ = 	snop  }
0x3b: {  	_ = 	snop  }
0x3c: {  	p2 =	seq.s32 s10, $0x1;
	s10 =	sld [smem:$0x3FB8]  }
0x3d: {  	_ =	shalt  }
0x3e: {  	_ =	shalt  }
0x3f: {  	_ =	shalt  }
0x40: {  	_ =	shalt  }
0x41: {  	_ =	shalt  }
0x42: {  	_ =	shalt  }
0x43: {  	_ =	shalt  }
0x44: {  	_ =	shalt  }
0x45: {  	_ =	shalt  }
0x46: {  	_ =	shalt  }
0x47: {  	_ =	shalt  }
0x48: {  	_ =	shalt  }
0x49: {  	_ =	shalt  }
0x4a: {  	_ =	shalt  }
0x4b: {  	_ =	shalt  }
0x4c: {  	_ =	shalt  }
0x4d: {  	_ =	shalt  }
0x4e: {  	_ =	shalt  }
0x4f: {  	_ =	shalt  }
0x50: {  	_ =	shalt  }
0x51: {  	_ =	shalt  }
0x52: {  	_ =	shalt  }
0x53: {  	_ =	shalt  }
0x54: {  	_ =	shalt  }
0x55: {  	_ =	shalt  }
0x56: {  	_ =	shalt  }
0x57: {  	_ =	shalt  }
0x58: {  	_ =	shalt  }
0x59: {  	_ =	shalt  }
0x5a: {  	_ =	shalt  }
0x5b: {  	_ =	shalt  }
0x5c: {  	_ =	shalt  }
0x5d: {  	_ =	shalt  }
0x5e: {  	_ =	shalt  }
0x5f: {  	_ =	shalt  }
0x60: {  	_ =	shalt  }
0x61: {  	_ =	shalt  }
0x62: {  	_ =	shalt  }
0x63: {  	_ =	shalt  }
0x64: {  	_ =	shalt  }
0x65: {  	_ =	shalt  }
0x66: {  	_ =	shalt  }
0x67: {  	_ =	shalt  }
0x68: {  	_ =	shalt  }
0x69: {  	_ =	shalt  }
0x6a: {  	_ =	shalt  }
0x6b: {  	_ =	shalt  }
0x6c: {  	_ =	shalt  }
0x6d: {  	_ =	shalt  }
0x6e: {  	_ =	shalt  }
0x6f: {  	_ =	shalt  }
0x70: {  	_ =	shalt  }
0x71: {  	_ =	shalt  }
0x72: {  	_ =	shalt  }
0x73: {  	_ =	shalt  }
0x74: {  	_ =	shalt  }
0x75: {  	_ =	shalt  }
0x76: {  	_ =	shalt  }
0x77: {  	_ =	shalt  }
0x78: {  	_ =	shalt  }
0x79: {  	_ =	shalt  }
0x7a: {  	_ =	shalt  }
0x7b: {  	_ =	shalt  }
0x7c: {  	_ =	shalt  }
0x7d: {  	_ =	shalt  }
0x7e: {  	_ =	shalt  }
0x7f: {  	_ =	shalt  }
0x80: {  	_ =	shalt  }
0x81: {  	_ =	shalt  }
0x82: {  	_ =	shalt  }
0x83: {  	_ =	shalt  }
0x84: {  	_ =	shalt  }
0x85: {  	_ =	shalt  }
0x86: {  	_ =	shalt  }
0x87: {  	_ =	shalt  }
.Lfunc_end0:
.L_simem_size_0:
called_computation_lowered:
.L_overlay_start_0:
0x88: {  	s2 =	sld [smem:$0x3FD9]  }
0x89: {  	s3 =	sld [smem:$0x3FFE];
	_ =	sdelay $0x1  }
0x8a: {  	s1 =	srdreg.scid  }
0x8b: {  	s0 =	sand.u32 $0x1, s1  }
0x8c: {  	s17 =	sshll.u32 s0, $0xA;
	s2 =	sadd.s32 s3, s2  }
0x8d: {  	s2 =	sadd.s32 s2, s17  }
0x8e: {  	[smem:$0x3FC4] =	sst s2  }
0x8f: {  	_ = 	snop  }
0x90: {  	s2 =	sld [smem:$0x3FD0];
	(tm) =	ssettm $0x1  }
0x91: {  	s18 =	sld [smem:$0x3FFB];
	_ =	sdelay $0x3  }
0x92: {  	_ =	strace s18  }
0x93: {  	s3 =	sld [smem:$0x3FFC];
	_ =	sdelay $0x3  }
0x94: {  	_ =	strace s3  }
0x95: {  	s3 =	sld [smem:$0x3FFD];
	_ =	sdelay $0x3  }
0x96: {  	_ =	strace s3  }
0x97: {  	_ =	strace $0x8FFFFFFF  }
0x98: {  	s19 =	sld [smem:$0x3FDB];
	_ =	sdelay $0x1  }
0x99: {  	s4 =	simm.s32 $_scs_section_size  }
0x9a: {  	s5 =	simm.s32 $_size__tile_overlayer_lowered;
	s6 =	simm.s32 $_tile_overlayer_lowered  }
0x9b: {  	s22 =	simm.s32 $0x1BFF;
	s21 =	sshll.u32 s6, $0x1;
	s3 =	sadd.s32 s4, s19  }
0x9c: {  	s7 =	simm.s32 $0x0;
	s20 =	sshll.u32 s5, $0x1;
	s5 =	sadd.s32 s21, s3  }
0x9d: {  	[timem:s7], [sflag:s22] =	dma.local [hbm:s5], s20  }
0x9e: {  	_ =	swait.ge [sflag:s22], s20  }
0x9f: {  	s4 =	ssub.s32 $0x0, s20;
	[sflag:s22] =	ssyncset.done $0x0  }
0xa0: {  	[sflag:s22] =	ssyncadd.s32 s4;
	_ =	sdelay $0x1  }
0xa1: {  	s23 =	simm.s32 $0x1B8B  }
0xa2: {  	_ =	swait.ge [sflag:s23], $0x1  }
0xa3: {  	[sflag:s23] =	ssyncset.done $0x0  }
0xa4: {  	s25 =	simm.s32 $0x1B8E;
	s24 =	sld [smem:$0x3FFE];
	[sflag:s23] =	ssyncadd.s32 $0xFFFFFFFF  }
0xa5: {  	s26 =	simm.s32 $execute0_lowered;
	[smem:$0x3FD2] =	sst s25  }
0xa6: {  	s5 =	sshll.u32 s26, $0x1;
	_ =	strace $0x80000046;
	[dreg:$0x1] =	wrdreg $0xFFFFFFFF  }
0xa7: {  	s28 =	simm.s32 $_size_execute0_lowered;
	s3 =	sadd.s32 s3, s5;
	[dreg:$0x0] =	wrdreg $0x0  }
0xa8: {  	s5 =	sshll.u32 s28, $0x1;
	[dreg:$0x2] =	wrdreg s3  }
0xa9: {  	[dreg:$0x3] =	wrdreg s5  }
0xaa: {  	[dreg:$0x4] =	wrdreg $0xC0  }
0xab: {  	_ =	task [dreg:s7], $0x5FFFF  }
0xac: {  	[dreg:$0x1] =	wrdreg $0xFFFFFFFF  }
0xad: {  	[dreg:$0x0] =	wrdreg $0x60  }
0xae: {  	[dreg:$0x2] =	wrdreg s2  }
0xaf: {  	[dreg:$0x3] =	wrdreg s24  }
0xb0: {  	[dreg:$0x4] =	wrdreg $0x9  }
0xb1: {  	_ =	task.clear_ibuf [dreg:s7], $0x5FFFF;
	_ =	strace $0x90000046  }
0xb2: {  	s29 =	simm.s32 $0x9;
	_ =	strace $0x80000048  }
0xb3: {  	_ =	swait.ge [sflag:s29], $0x1  }
0xb4: {  	[sflag:s29] =	ssyncadd.s32 $0xFFFFFFFF  }
0xb5: {  	_ =	strace $0x90000048  }
0xb6: {  	_ =	sfence  }
0xb7: {  	s30 =	sld [smem:$0x0];
	_ =	sdelay $0x2  }
0xb8: {  	s31 =	sshll.u32 s1, $0xD;
	s1 =	sshrl.u32 s1, $0x2  }
0xb9: {  	s3 =	sand.u32 $0x4000, s31;
	s1 =	sadd.s32 s1, s30  }
0xba: {  	s0 =	sor.u32 s3, s0;
	s1 =	sshll.u32 s1, $0x11  }
0xbb: {  	s0 =	sor.u32 s1, s0  }
0xbc: {  	s0 =	sadd.s32 $0x8F2B, s0  }
0xbd: {  	[sflag:s0] =	ssyncadd.remote.s32 $0x1  }
0xbe: {  	_ =	sfence.sel $0xFFFF  }
0xbf: {  	[dreg:$0x0] =	wrdreg $0xFFFFFFFF;
	(pc) =	sbr.abs _section_cstart, $3  }
0xc0: {  	[dreg:$0x1] =	wrdreg $0xFFFFFFFF  }
0xc1: {  	_ =	task.clear_ibuf [dreg:s7], $0x2FFFF;
	_ =	strace $0x9FFFFFFF  }
0xc2: {  	(tm) =	ssettm $0x7FFFFFFF  }
0xc3: {  	_ =	shalt  }
tec
execute0_lowered:
.L_overlay_start_1:
0x0: {  	(tag) =	ssettag $0x1  }
0x1: {  	s0 =	srdreg.scid;
	s3 =	rddreg [dreg:$0x0]  }
0x2: {  	s5 =	rddreg [dreg:$0x1];
	s1 =	stileid.u32;
	s4 =	sand.u32 $0x1, s0  }
0x3: {  	s2 =	simm.s32 $0x0;
	s8 =	simm.s32 $0x2;
	s6 =	sshll.u32 s4, $0x4  }
0x4: {  	s9 =	simm.s32 $0x0;
	s4 =	ssub.s32 $0x2, s4;
	s6 =	sor.u32 s1, s6  }
0x5: {  	[smem:$0x7FF] =	sst s2;
	s7 =	sshrl.u32 s4, $0x1;
	s6 =	smul.u32 $0x4E2, s6  }
0x6: {  	s0 =	rddreg [dreg:$0x2];
	_ =	strace $0x80000047;
	s7 =	ssub.s32 s4, s7  }
0x7: {  	s5 =	sadd.s32 s6, s5;
	s3 =	sadd.s32 s3, s6;
	s6 =	simm.s32 $0x1  }
0x8: {  	v0 =	vimm.f32 $0.0e+00;
	v1 =	vimm.f32 $1.000000000e+00;
	s4 =	sadd.s32 $0xA00, s5;
	s5 =	smax.u32 s7, $0x1;
	s7 =	simm.s32 $0x2710  }
.LBB2_1:
0x9: {  	[tilespmem:s2], [sflag:$0x1] =	stream.linear.gather [hbm4b:s3+s2], $0x2710, $0x38;
	[tilespmem:$0x4E20] =	vst v63  }
0xa: {  	s10 =	simm.s32 $0x2750  }
0xb: {  	[tilespmem:s10+$0xFFFFFFC0] =	vst v0  }
0xc: {  	[tilespmem:s10+$0x30] =	vst v0  }
0xd: {  	[tilespmem:s10+$0x20] =	vst v0  }
0xe: {  	[tilespmem:s10+$0x10] =	vst v0  }
0xf: {  	[tilespmem:s10+$0x0] =	vst v0  }
0x10: {  	[tilespmem:s10+$0xFFFFFFF0] =	vst v0  }
0x11: {  	s11 =	simm.s32 $0x0;
	[tilespmem:s10+$0xFFFFFFE0] =	vst v0  }
.LBB2_2:
0x12: {  	s11 =	sadd.s32 $0x8, s11;
	[tilespmem:s10+$0xFFFFFFD0] =	vst v0;
	s10 =	sadd.s32 $0x80, s10  }
0x13: {  	[tilespmem:s10+$0xFFFFFFC0] =	vst v0;
	p0 =	slt.u32 s11, $0x268  }
0x14: {  	[tilespmem:s10+$0x30] =	vst v0  }
.Ltmp0:
0x15: {  	[tilespmem:s10+$0x20] =	vst v0;
	(pc) =	sbr.rel @p0 .LBB2_2-.Ltmp0, $4  }
0x16: {  	[tilespmem:s10+$0x10] =	vst v0  }
0x17: {  	[tilespmem:s10+$0x0] =	vst v0  }
0x18: {  	[tilespmem:s10+$0xFFFFFFF0] =	vst v0  }
0x19: {  	[tilespmem:s10+$0xFFFFFFE0] =	vst v0  }
0x1a: {  	[tilespmem:s10+$0xFFFFFFD0] =	vst v0  }
0x1b: {  	[tilespmem:$0x4E10] =	vst v0  }
0x1c: {  	_ =	swait.ge [sflag:s6], $0x2710  }
0x1d: {  	[sflag:s6] =	ssyncset.done $0x0  }
0x1e: {  	s10 =	simm.s32 $0xFFFFFFF8;
	s11 =	simm.s32 $0x40;
	[sflag:s6] =	ssyncadd.s32 $0xFFFFD8F0  }
.LBB2_4:
0x1f: {  	v2 =	vld [tilespmem:s11+$0xFFFFFFC0];
	_ =	sdelay $0x7  }
0x20: {  	[tilespmem:v2+s7+$0x0] =	vst.idx.add.f32.msk $0xffff, v1  }
0x21: {  	v2 =	vld [tilespmem:s11+$0xFFFFFFD0];
	_ =	sdelay $0x7  }
0x22: {  	[tilespmem:v2+s7+$0x0] =	vst.idx.add.f32.msk $0xffff, v1  }
0x23: {  	v2 =	vld [tilespmem:s11+$0xFFFFFFE0];
	_ =	sdelay $0x7  }
0x24: {  	[tilespmem:v2+s7+$0x0] =	vst.idx.add.f32.msk $0xffff, v1  }
0x25: {  	v2 =	vld [tilespmem:s11+$0xFFFFFFF0];
	_ =	sdelay $0x7  }
0x26: {  	[tilespmem:v2+s7+$0x0] =	vst.idx.add.f32.msk $0xffff, v1  }
0x27: {  	v2 =	vld [tilespmem:s11+$0x0];
	_ =	sdelay $0x7  }
0x28: {  	[tilespmem:v2+s7+$0x0] =	vst.idx.add.f32.msk $0xffff, v1  }
0x29: {  	v2 =	vld [tilespmem:s11+$0x10];
	_ =	sdelay $0x7  }
0x2a: {  	[tilespmem:v2+s7+$0x0] =	vst.idx.add.f32.msk $0xffff, v1  }
0x2b: {  	v2 =	vld [tilespmem:s11+$0x20];
	_ =	sdelay $0x7  }
0x2c: {  	[tilespmem:v2+s7+$0x0] =	vst.idx.add.f32.msk $0xffff, v1  }
0x2d: {  	v2 =	vld [tilespmem:s11+$0x30];
	_ =	sdelay $0x1  }
0x2e: {  	s10 =	sadd.s32 $0x8, s10  }
0x2f: {  	p0 =	slt.u32 s10, $0x268  }
.Ltmp1:
0x30: {  	_ = 	snop;
	(pc) =	sbr.rel @p0 .LBB2_4-.Ltmp1, $2  }
0x31: {  	_ =	sdelay $0x2  }
0x32: {  	s11 =	sadd.s32 $0x80, s11;
	[tilespmem:v2+s7+$0x0] =	vst.idx.add.f32.msk $0xffff, v1  }
0x33: {  	v2 =	vld [tilespmem:$0x2700];
	_ =	sdelay $0x5  }
0x34: {  	s9 =	sadd.s32 $0x1, s9  }
0x35: {  	p0 =	sne.s32 s9, s5  }
.Ltmp2:
0x36: {  	[tilespmem:v2+s7+$0x0] =	vst.idx.add.f32.msk $0xffff, v1;
	(pc) =	sbr.rel @p0 .LBB2_1-.Ltmp2, $4  }
0x37: {  	[hbm4b:s4+s2] =	stream.linear.scatter [tilespmem:s7], [sflag:$0x2], $0x2710, $0x38;
	[tilespmem:$0x4E20] =	vst v63  }
0x38: {  	_ =	swait.ge [sflag:s8], $0x2710  }
0x39: {  	[sflag:s8] =	ssyncset.done $0x0  }
0x3a: {  	[sflag:s8] =	ssyncadd.s32 $0xFFFFD8F0  }
0x3b: {  	_ =	sfence.sel $0x180000  }
0x3c: {  	[bflag:$0x0] =	sbarrier.arrive $0xFFFF  }
0x3d: {  	p0 =	sne.s32 s1, $0x0;
	_ =	strace $0x90000047  }
0x3e: {  	s0 =	sadd.s32 @!p0 $0x100000, s0;
	[bflag:$0x2] =	sbarrier.arrive $0xFFFF  }
0x3f: {  	[sflag:s0] =	ssyncadd.tile.s32 @!p0 $0x1;
	_ =	shalt  }
.Lfunc_end2:
_tile_overlayer_lowered:
.L_overlay_start_2:
0x40: {  	(tag) =	ssettag $0x2  }
0x41: {  	s0 =	rddreg [dreg:$0x0];
	s2 =	stileid.u32  }
0x42: {  	s1 =	rddreg [dreg:$0x1];
	p0 =	sne.s32 s2, $0x0  }
0x43: {  	s3 =	rddreg [dreg:$0x2];
	[bflag:$0x3] =	sbarrier.arrive $0xFFFF;
	s2 =	simm.s32 @!p0 $0x1C02  }
0x44: {  	[timem:s3], [sflag:s2] =	dma.local @!p0 [hbm:s0], s1  }
0x45: {  	s0 =	simm.s32 @!p0 $0x2  }
0x46: {  	_ =	swait.ge @!p0 [sflag:s0], s1  }
0x47: {  	s1 =	ssub.s32 @!p0 $0x0, s1;
	[sflag:s0] =	ssyncset.done @!p0 $0x0  }
0x48: {  	[sflag:s0] =	ssyncadd.s32 @!p0 s1  }
0x49: {  	[bflag:$0x3] =	sbarrier.arrive $0xFFFF  }
0x4a: {  	_ =	shalt  }

// kernel: kernel.8.cloned.1.call-start
scs
__scs_entry_jumppad:
0x0: {  	(pc) =	sbr.rel $0x88, $3  }
0x1: {  	(tag) =	ssettag $0x0;
	lr =	simm.s32 $0x1  }
0x2: {  	[smem:$0x3F9D] =	sst lr;
	_ =	strace $0xD0000000  }
0x3: {  	_ = 	snop  }
0x4: {  	_ = 	snop  }
0x5: {  	_ = 	snop  }
0x6: {  	_ = 	snop  }
0x7: {  	_ = 	snop  }
__scs_overlays_trampoline_lowered:
0x8: {  	[smem:$0x3FAC] =	sst s0  }
0x9: {  	[smem:$0x3FAD] =	sst s1  }
0xa: {  	[smem:$0x3FAE] =	sst s2  }
0xb: {  	[smem:$0x3FAF] =	sst s3  }
0xc: {  	[smem:$0x3FB0] =	sst s4  }
0xd: {  	[smem:$0x3FB1] =	sst s5  }
0xe: {  	[smem:$0x3FB2] =	sst s6  }
0xf: {  	[smem:$0x3FB3] =	sst s7  }
0x10: {  	[smem:$0x3FB4] =	sst s8  }
0x11: {  	[smem:$0x3FB5] =	sst s9;
	s0 =	simm.s32 @!p0 $0x0  }
0x12: {  	s1 =	sld [smem:$0x3F9B];
	s0 =	simm.s32 @p0 $0x1  }
0x13: {  	[smem:$0x3FB6] =	sst s0;
	s0 =	simm.s32 @!p1 $0x0  }
0x14: {  	s2 =	sld [smem:$0x3F9A];
	s0 =	simm.s32 @p1 $0x1  }
0x15: {  	[smem:$0x3FB7] =	sst s0;
	s0 =	simm.s32 @!p2 $0x0  }
0x16: {  	s3 =	sld [smem:$0x3FDB];
	s0 =	simm.s32 @p2 $0x1  }
0x17: {  	s4 =	simm.s32 $0x1BF5;
	[smem:$0x3FB9] =	sst s0  }
0x18: {  	s0 =	sld [smem:$0x3F9C];
	_ =	swait.ge [sflag:s4], $0x0  }
0x19: {  	s7 =	sld [smem:$0x3F9D]  }
0x1a: {  	s8 =	sadd.s32 $0xFFFFE003, lr  }
0x1b: {  	s9 =	sadd.s32 $0xFFFFFEF7, lr;
	s5 =	simm.s32 $0xFFFFFFFF;
	p2 =	slt.u32 s8, $0xFFFFF086  }
0x1c: {  	p1 =	slt.u32 s9, $0xF7A;
	s5 =	simm.s32 @!p2 $0x0  }
0x1d: {  	s5 =	simm.s32 @p1 $0x1;
	p0 =	seq.s32 s7, s2  }
0x1e: {  	s7 =	smul.u32 @!p0 $0xF7A, s2;
	p2 =	seq.s32 @!p0 s5, $0x0  }
0x1f: {  	s9 =	smul.u32 $0xF7A, s1;
	s8 =	simm.s32 @!p0 $0x1BF5;
	p2 =	por !p2, p0  }
0x20: {  	[sflag:s8] =	ssyncset.s32 @!p0 $0xFFFFF086;
	s6 =	sadd.s32 @!p0 s3, s7;
	s7 =	simm.s32 @!p0 $0x108  }
0x21: {  	s3 =	sadd.s32 s3, s9;
	s6 =	sadd.s32 @!p0 $0x88, s6;
	s7 =	simm.s32 @p2 $0x1082  }
0x22: {  	[simem:s7], [sflag:s8] =	dma.local @!p0 [hbm:s6], $0xF7A  }
0x23: {  	s9 =	sor.u32 $0xD0000000, s2;
	s6 =	simm.s32 $0x108;
	_ =	swait.ge @!p0 [sflag:s8], $0x0  }
0x24: {  	s3 =	sadd.s32 $0x88, s3;
	s6 =	simm.s32 @!p1 $0x1082;
	[sflag:s4] =	ssyncset.s32 $0xFFFFF086  }
0x25: {  	[simem:s6], [sflag:s4] =	dma.local [hbm:s3], $0xF7A  }
0x26: {  	[smem:$0x3F9D] =	sst s1;
	(tag) =	ssettag s2;
	_ =	strace s9  }
0x27: {  	s1 =	sld [smem:$0x3FAD]  }
0x28: {  	s2 =	sld [smem:$0x3FAE]  }
0x29: {  	s4 =	sld [smem:$0x3FB0]  }
0x2a: {  	p0 =	seq.s32 s5, $0x0;
	s5 =	sld [smem:$0x3FB1]  }
0x2b: {  	s6 =	sld [smem:$0x3FB2]  }
0x2c: {  	s7 =	sld [smem:$0x3FB3]  }
0x2d: {  	s3 =	simm.s32 $0x108;
	s8 =	sld [smem:$0x3FB4]  }
0x2e: {  	s3 =	simm.s32 @!p0 $0x1082;
	s9 =	sld [smem:$0x3FB5]  }
0x2f: {  	lr =	sadd.s32 s0, s3;
	s0 =	sld [smem:$0x3FAC]  }
0x30: {  	s3 =	sld [smem:$0x3FAF]  }
0x31: {  	[smem:$0x3FB8] =	sst s10  }
0x32: {  	s10 =	sld [smem:$0x3FB6];
	_ =	sdelay $0x3  }
0x33: {  	p0 =	seq.s32 s10, $0x1;
	s10 =	sld [smem:$0x3FB8];
	_ =	sdelay $0x3  }
0x34: {  	[smem:$0x3FB8] =	sst s10  }
0x35: {  	s10 =	sld [smem:$0x3FB7];
	_ =	sdelay $0x3  }
0x36: {  	p1 =	seq.s32 s10, $0x1;
	s10 =	sld [smem:$0x3FB8];
	_ =	sdelay $0x3  }
0x37: {  	[smem:$0x3FB8] =	sst s10  }
0x38: {  	s10 =	sld [smem:$0x3FB9]  }
0x39: {  	_ = 	snop;
	(pc) =	sbr.ind lr, $3  }
0x3a: {  	_ = 	snop  }
0x3b: {  	_ = 	snop  }
0x3c: {  	p2 =	seq.s32 s10, $0x1;
	s10 =	sld [smem:$0x3FB8]  }
0x3d: {  	_ =	shalt  }
0x3e: {  	_ =	shalt  }
0x3f: {  	_ =	shalt  }
0x40: {  	_ =	shalt  }
0x41: {  	_ =	shalt  }
0x42: {  	_ =	shalt  }
0x43: {  	_ =	shalt  }
0x44: {  	_ =	shalt  }
0x45: {  	_ =	shalt  }
0x46: {  	_ =	shalt  }
0x47: {  	_ =	shalt  }
0x48: {  	_ =	shalt  }
0x49: {  	_ =	shalt  }
0x4a: {  	_ =	shalt  }
0x4b: {  	_ =	shalt  }
0x4c: {  	_ =	shalt  }
0x4d: {  	_ =	shalt  }
0x4e: {  	_ =	shalt  }
0x4f: {  	_ =	shalt  }
0x50: {  	_ =	shalt  }
0x51: {  	_ =	shalt  }
0x52: {  	_ =	shalt  }
0x53: {  	_ =	shalt  }
0x54: {  	_ =	shalt  }
0x55: {  	_ =	shalt  }
0x56: {  	_ =	shalt  }
0x57: {  	_ =	shalt  }
0x58: {  	_ =	shalt  }
0x59: {  	_ =	shalt  }
0x5a: {  	_ =	shalt  }
0x5b: {  	_ =	shalt  }
0x5c: {  	_ =	shalt  }
0x5d: {  	_ =	shalt  }
0x5e: {  	_ =	shalt  }
0x5f: {  	_ =	shalt  }
0x60: {  	_ =	shalt  }
0x61: {  	_ =	shalt  }
0x62: {  	_ =	shalt  }
0x63: {  	_ =	shalt  }
0x64: {  	_ =	shalt  }
0x65: {  	_ =	shalt  }
0x66: {  	_ =	shalt  }
0x67: {  	_ =	shalt  }
0x68: {  	_ =	shalt  }
0x69: {  	_ =	shalt  }
0x6a: {  	_ =	shalt  }
0x6b: {  	_ =	shalt  }
0x6c: {  	_ =	shalt  }
0x6d: {  	_ =	shalt  }
0x6e: {  	_ =	shalt  }
0x6f: {  	_ =	shalt  }
0x70: {  	_ =	shalt  }
0x71: {  	_ =	shalt  }
0x72: {  	_ =	shalt  }
0x73: {  	_ =	shalt  }
0x74: {  	_ =	shalt  }
0x75: {  	_ =	shalt  }
0x76: {  	_ =	shalt  }
0x77: {  	_ =	shalt  }
0x78: {  	_ =	shalt  }
0x79: {  	_ =	shalt  }
0x7a: {  	_ =	shalt  }
0x7b: {  	_ =	shalt  }
0x7c: {  	_ =	shalt  }
0x7d: {  	_ =	shalt  }
0x7e: {  	_ =	shalt  }
0x7f: {  	_ =	shalt  }
0x80: {  	_ =	shalt  }
0x81: {  	_ =	shalt  }
0x82: {  	_ =	shalt  }
0x83: {  	_ =	shalt  }
0x84: {  	_ =	shalt  }
0x85: {  	_ =	shalt  }
0x86: {  	_ =	shalt  }
0x87: {  	_ =	shalt  }
.Lfunc_end0:
.L_simem_size_0:
called_computation.1_lowered:
.L_overlay_start_0:
0x88: {  	s2 =	sld [smem:$0x3FD9]  }
0x89: {  	s3 =	sld [smem:$0x3FFE];
	_ =	sdelay $0x1  }
0x8a: {  	s1 =	srdreg.scid  }
0x8b: {  	s0 =	sand.u32 $0x1, s1  }
0x8c: {  	s17 =	sshll.u32 s0, $0xA;
	s2 =	sadd.s32 s3, s2  }
0x8d: {  	s2 =	sadd.s32 s2, s17  }
0x8e: {  	[smem:$0x3FC4] =	sst s2  }
0x8f: {  	_ = 	snop  }
0x90: {  	s2 =	sld [smem:$0x3FC6]  }
0x91: {  	s18 =	sld [smem:$0x3FD0];
	(tm) =	ssettm $0x1  }
0x92: {  	s4 =	sld [smem:$0x3FFB];
	_ =	sdelay $0x3  }
0x93: {  	_ =	strace s4  }
0x94: {  	s4 =	sld [smem:$0x3FFC];
	_ =	sdelay $0x3  }
0x95: {  	_ =	strace s4  }
0x96: {  	s4 =	sld [smem:$0x3FFD];
	_ =	sdelay $0x3  }
0x97: {  	_ =	strace s4  }
0x98: {  	_ =	strace $0x8FFFFFFF  }
0x99: {  	s19 =	sld [smem:$0x3FDB];
	_ =	sdelay $0x1  }
0x9a: {  	s5 =	simm.s32 $_scs_section_size  }
0x9b: {  	s6 =	simm.s32 $_size__tile_overlayer_lowered;
	s7 =	simm.s32 $_tile_overlayer_lowered  }
0x9c: {  	s22 =	simm.s32 $0x1BFF;
	s21 =	sshll.u32 s7, $0x1;
	s4 =	sadd.s32 s5, s19  }
0x9d: {  	s8 =	simm.s32 $0x0;
	s20 =	sshll.u32 s6, $0x1;
	s6 =	sadd.s32 s21, s4  }
0x9e: {  	[timem:s8], [sflag:s22] =	dma.local [hbm:s6], s20  }
0x9f: {  	_ =	swait.ge [sflag:s22], s20  }
0xa0: {  	s5 =	ssub.s32 $0x0, s20;
	[sflag:s22] =	ssyncset.done $0x0  }
0xa1: {  	[sflag:s22] =	ssyncadd.s32 s5;
	_ =	sdelay $0x1  }
0xa2: {  	s23 =	simm.s32 $0x1B8B  }
0xa3: {  	_ =	swait.ge [sflag:s23], $0x1  }
0xa4: {  	[sflag:s23] =	ssyncset.done $0x0  }
0xa5: {  	s25 =	simm.s32 $0x1B8E;
	s24 =	sld [smem:$0x3FFE];
	[sflag:s23] =	ssyncadd.s32 $0xFFFFFFFF  }
0xa6: {  	s26 =	simm.s32 $execute0_lowered;
	[smem:$0x3FD2] =	sst s25  }
0xa7: {  	s6 =	sshll.u32 s26, $0x1;
	_ =	strace $0x80000049;
	[dreg:$0x1] =	wrdreg $0xFFFFFFFF  }
0xa8: {  	s28 =	simm.s32 $_size_execute0_lowered;
	s4 =	sadd.s32 s4, s6;
	[dreg:$0x0] =	wrdreg $0x0  }
0xa9: {  	s6 =	sshll.u32 s28, $0x1;
	[dreg:$0x2] =	wrdreg s4  }
0xaa: {  	[dreg:$0x3] =	wrdreg s6  }
0xab: {  	[dreg:$0x4] =	wrdreg $0xC0  }
0xac: {  	_ =	task [dreg:s8], $0x5FFFF  }
0xad: {  	[dreg:$0x1] =	wrdreg $0xFFFFFFFF  }
0xae: {  	[dreg:$0x0] =	wrdreg $0x60  }
0xaf: {  	[dreg:$0x2] =	wrdreg s24  }
0xb0: {  	[dreg:$0x3] =	wrdreg s2  }
0xb1: {  	[dreg:$0x4] =	wrdreg s18  }
0xb2: {  	[dreg:$0x5] =	wrdreg $0x13F000  }
0xb3: {  	[dreg:$0x6] =	wrdreg $0x9  }
0xb4: {  	_ =	task.clear_ibuf [dreg:s8], $0x7FFFF;
	_ =	strace $0x90000049  }
0xb5: {  	s29 =	simm.s32 $0x9;
	_ =	strace $0x8000004B  }
0xb6: {  	_ =	swait.ge [sflag:s29], $0x1  }
0xb7: {  	[sflag:s29] =	ssyncadd.s32 $0xFFFFFFFF  }
0xb8: {  	_ =	strace $0x9000004B  }
0xb9: {  	_ =	sfence  }
0xba: {  	s30 =	sld [smem:$0x0];
	_ =	sdelay $0x2  }
0xbb: {  	s31 =	sshll.u32 s1, $0xD;
	s1 =	sshrl.u32 s1, $0x2  }
0xbc: {  	s3 =	sand.u32 $0x4000, s31;
	s1 =	sadd.s32 s1, s30  }
0xbd: {  	s0 =	sor.u32 s3, s0;
	s1 =	sshll.u32 s1, $0x11  }
0xbe: {  	s0 =	sor.u32 s1, s0  }
0xbf: {  	s0 =	sadd.s32 $0x8F2B, s0  }
0xc0: {  	[sflag:s0] =	ssyncadd.remote.s32 $0x1  }
0xc1: {  	_ =	sfence.sel $0xFFFF  }
0xc2: {  	[dreg:$0x0] =	wrdreg $0xFFFFFFFF;
	(pc) =	sbr.abs _section_cstart, $3  }
0xc3: {  	[dreg:$0x1] =	wrdreg $0xFFFFFFFF  }
0xc4: {  	_ =	task.clear_ibuf [dreg:s8], $0x2FFFF;
	_ =	strace $0x9FFFFFFF  }
0xc5: {  	(tm) =	ssettm $0x7FFFFFFF  }
tec
execute0_lowered:
.L_overlay_start_1:
0x0: {  	(tag) =	ssettag $0x1  }
0x1: {  	s1 =	rddreg [dreg:$0x0]  }
0x2: {  	s3 =	rddreg [dreg:$0x1]  }
0x3: {  	s0 =	rddreg [dreg:$0x2]  }
0x4: {  	s2 =	rddreg [dreg:$0x3]  }
0x5: {  	s4 =	simm.s32 $0x0;
	s13 =	stileid.u32;
	s7 =	srdreg.scid  }
0x6: {  	s29 =	simm.s32 $0x13C40;
	s30 =	simm.s32 $0x3;
	s5 =	smul.u32 $0xA00, s13  }
0x7: {  	s28 =	simm.s32 $0x9;
	[smem:$0x7FF] =	sst s4;
	s6 =	smul.u32 $0x271, s13  }
0x8: {  	s4 =	sadd.s32 $0x14800, s1;
	s7 =	sand.u32 $0x1, s7;
	s10 =	smul.u32 $0x27100, s13  }
0x9: {  	s11 =	sadd.s32 $0x1000, s1;
	s24 =	sshll.u32 s13, $0x6;
	s13 =	smul.u32 $0x13880, s13  }
0xa: {  	_ =	strace $0x8000004A;
	s9 =	ssub.s32 $0x2, s7;
	[dreg:$0x5] =	wrdreg s11  }
0xb: {  	s25 =	sor.u32 $0x1C06, s24;
	s31 =	sshll.u32 s7, $0x6;
	s12 =	sshll.u32 s7, $0x3  }
0xc: {  	p0 =	seq.s32 s7, $0x1;
	s5 =	sadd.s32 s5, s1;
	s8 =	sshrl.u32 s6, $0x3  }
0xd: {  	s22 =	sshrl.u32 s9, $0x1;
	s23 =	sshrl.u32 s10, $0x2;
	[dreg:$0x7] =	wrdreg s25  }
0xe: {  	s3 =	sadd.s32 s3, s12;
	s14 =	sadd.s32 $0x7D, s6;
	s11 =	sand.u32 $0x7, s6  }
0xf: {  	s16 =	sadd.s32 $0xFA, s6;
	s18 =	sadd.s32 $0x177, s6;
	s6 =	sadd.s32 $0x1F4, s6  }
0x10: {  	s21 =	sor.u32 s31, s13;
	s10 =	simm.s32 $0xBF40;
	s13 =	simm.s32 $0xDE80  }
0x11: {  	s1 =	sadd.s32 s8, s1;
	s8 =	ssub.s32 s9, s22;
	s9 =	sadd.s32 s23, s2  }
0x12: {  	s26 =	sadd.s32 $0xA800, s5;
	[dreg:$0xa] =	wrdreg s3;
	s15 =	sshll.u32 s14, $0x6  }
0x13: {  	s17 =	sshll.u32 s16, $0x6;
	s12 =	sshll.u32 s18, $0x6;
	s20 =	sshll.u32 s6, $0x6  }
0x14: {  	s3 =	sshll.u32 s14, $0x7;
	s24 =	sshll.u32 s18, $0x7;
	s6 =	sshll.u32 s6, $0x7  }
0x15: {  	s14 =	simm.s32 $0xFDC0;
	s18 =	simm.s32 $0x8;
	[dreg:$0x6] =	wrdreg s9  }
0x16: {  	[dreg:$0x8] =	wrdreg s26;
	s1 =	sadd.s32 $0xA00, s1;
	s7 =	sadd.s32 s15, s2  }
0x17: {  	s19 =	sadd.s32 s12, s2;
	s3 =	sor.u32 s31, s3;
	s9 =	sshll.u32 s16, $0x7  }
0x18: {  	s25 =	sor.u32 s31, s24;
	s26 =	smax.u32 s8, $0x1;
	s24 =	sadd.s32 $0xFA, s11  }
0x19: {  	s8 =	simm.s32 $0xA000;
	s12 =	simm.s32 $0x1;
	[dreg:$0x9] =	wrdreg s1  }
0x1a: {  	s15 =	simm.s32 $0x11D00;
	s16 =	simm.s32 $0x5;
	[dreg:$0xb] =	wrdreg s7  }
0x1b: {  	s7 =	sadd.s32 s17, s2;
	[dreg:$0xd] =	wrdreg s19;
	s3 =	sshrl.u32 s3, $0x3  }
0x1c: {  	s22 =	sor.u32 s31, s9;
	s1 =	sor.u32 s31, s6;
	s6 =	simm.s32 $0x45A00  }
0x1d: {  	[dreg:$0x14] =	wrdreg s26;
	s26 =	sadd.s32 $0x1F4, s11;
	s9 =	simm.s32 $0x80  }
0x1e: {  	s17 =	simm.s32 $0x7;
	s19 =	simm.s32 $0xA;
	[dreg:$0xc] =	wrdreg s7  }
0x1f: {  	s7 =	sadd.s32 s20, s2;
	s3 =	sadd.s32 s0, s3;
	s23 =	sshrl.u32 s22, $0x3  }
0x20: {  	s1 =	sshrl.u32 s1, $0x3;
	s6 =	simm.s32 @!p0 $0x3BA00;
	[dreg:$0xe] =	wrdreg s7  }
0x21: {  	s20 =	simm.s32 $0x40;
	s7 =	sshrl.u32 s21, $0x3;
	[dreg:$0x10] =	wrdreg s3  }
0x22: {  	s3 =	sadd.s32 s0, s23;
	s31 =	sadd.s32 s6, s5;
	s23 =	sadd.s32 $0x7D, s11  }
0x23: {  	s5 =	simm.s32 $0x4;
	s21 =	simm.s32 $0x0;
	[dreg:$0x11] =	wrdreg s3  }
0x24: {  	s7 =	sadd.s32 s0, s7;
	s3 =	sshrl.u32 s25, $0x3;
	[dreg:$0x15] =	wrdreg s31  }
0x25: {  	s25 =	sadd.s32 $0x177, s11;
	[dreg:$0xf] =	wrdreg s7;
	s3 =	sadd.s32 s0, s3  }
0x26: {  	s0 =	sadd.s32 s0, s1;
	s1 =	simm.s32 $0x2;
	[dreg:$0x12] =	wrdreg s3  }
0x27: {  	s7 =	simm.s32 $0x7D;
	[dreg:$0x13] =	wrdreg s0;
	s0 =	simm.s32 $0x6  }
.LBB2_1:
0x28: {  	s3 =	rddreg [dreg:$0x6]  }
0x29: {  	s6 =	rddreg [dreg:$0x5]  }
0x2a: {  	s22 =	rddreg [dreg:$0x7];
	s3 =	sshrl.u32 s3, $0x3  }
0x2b: {  	[spmem:s3], [sflag:s22] =	dma.local [hbm:s6], $0x1388  }
0x2c: {  	s3 =	simm.s32 $0x0;
	s22 =	simm.s32 $0x5000;
	s6 =	rddreg [dreg:$0x8]  }
0x2d: {  	[tilespmem:s22], [sflag:$0x2] =	stream.linear.gather [hbm4b:s6+s3], $0x5000, $0x38;
	[tilespmem:$0x1DB40] =	vst v63  }
0x2e: {  	s31 =	rddreg [dreg:$0x9]  }
0x2f: {  	[tilespmem:s29], [sflag:$0x3] =	stream.linear.gather [hbm4b:s31+s3], $0x280, $0x38;
	[tilespmem:$0x1DB40] =	vst v63  }
0x30: {  	s6 =	rddreg [dreg:$0xa];
	s31 =	simm.s32 $0x13EC0  }
0x31: {  	[tilespmem:s31], [sflag:$0x4] =	stream.linear.gather [hbm4b:s6+s3], $0x40, $0x38;
	[tilespmem:$0x1DB40] =	vst v63  }
0x32: {  	s31 =	rddreg [dreg:$0x15]  }
0x33: {  	[tilespmem:s3], [sflag:$0xB] =	stream.linear.gather [hbm4b:s31+s3], $0x5000, $0x38;
	[tilespmem:$0x1DB40] =	vst v63  }
0x34: {  	s31 =	simm.s32 $0xB  }
0x35: {  	_ =	swait.ge [sflag:s31], $0x5000  }
0x36: {  	[sflag:s31] =	ssyncset.done $0x0  }
0x37: {  	[sflag:s31] =	ssyncadd.s32 $0xFFFFB000  }
0x38: {  	_ =	swait.ge [sflag:s0], $0x1388  }
0x39: {  	[sflag:s0] =	ssyncset.done $0x0  }
0x3a: {  	[sflag:s0] =	ssyncadd.s32 $0xFFFFEC78  }
0x3b: {  	_ =	swait.ge [sflag:s1], $0x5000  }
0x3c: {  	[sflag:s1] =	ssyncset.done $0x0  }
0x3d: {  	[sflag:s1] =	ssyncadd.s32 $0xFFFFB000  }
0x3e: {  	_ =	swait.ge [sflag:s30], $0x280  }
0x3f: {  	[sflag:s30] =	ssyncset.done $0x0  }
0x40: {  	[sflag:s30] =	ssyncadd.s32 $0xFFFFFD80  }
0x41: {  	_ =	swait.ge [sflag:s5], $0x40  }
0x42: {  	[sflag:s5] =	ssyncset.done $0x0  }
0x43: {  	[sflag:s5] =	ssyncadd.s32 $0xFFFFFFC0  }
0x44: {  	[bflag:$0x0] =	sbarrier.arrive $0xFFFF  }
0x45: {  	[tilespmem:s8], [sflag:$0x1] =	stream.indirect.gather [hbm4b:s4+s7], $0x40, s3, s7, $0xb8;
	[tilespmem:$0x1DB40] =	vst v63  }
0x46: {  	_ = 	snop  }
0x47: {  	[tilespmem:s10], [sflag:$0x2] =	stream.indirect.gather [hbm4b:s4+s7], $0x40, s9, s7, $0xb8;
	[tilespmem:$0x1DB40] =	vst v63  }
0x48: {  	_ =	swait.ge [sflag:s12], $0x1F40  }
0x49: {  	[sflag:s12] =	ssyncset.done $0x0  }
0x4a: {  	[sflag:s12] =	ssyncadd.s32 $0xFFFFE0C0  }
0x4b: {  	[spmem:s2] =	stream.indirect.scatter.add.f32 [tilespmem:s8], [sflag:$0x6], $0x40, s22, s7, $0xb8;
	[tilespmem:$0x1DB40] =	vst v63  }
0x4c: {  	s6 =	simm.s32 $0x100  }
0x4d: {  	[tilespmem:s13], [sflag:$0x3] =	stream.indirect.gather [hbm4b:s4+s7], $0x40, s6, s7, $0xb8;
	[tilespmem:$0x1DB40] =	vst v63  }
0x4e: {  	_ =	swait.ge [sflag:s1], $0x1F40  }
0x4f: {  	[sflag:s1] =	ssyncset.done $0x0  }
0x50: {  	s22 =	simm.s32 $0x5080;
	[sflag:s1] =	ssyncadd.s32 $0xFFFFE0C0  }
0x51: {  	[spmem:s2] =	stream.indirect.scatter.add.f32 [tilespmem:s10], [sflag:$0x7], $0x40, s22, s7, $0xb8;
	[tilespmem:$0x1DB40] =	vst v63  }
0x52: {  	s31 =	simm.s32 $0x180  }
0x53: {  	[tilespmem:s14], [sflag:$0x4] =	stream.indirect.gather [hbm4b:s4+s7], $0x40, s31, s7, $0xb8;
	[tilespmem:$0x1DB40] =	vst v63  }
0x54: {  	_ =	swait.ge [sflag:s30], $0x1F40  }
0x55: {  	[sflag:s30] =	ssyncset.done $0x0  }
0x56: {  	s6 =	simm.s32 $0x5100;
	[sflag:s30] =	ssyncadd.s32 $0xFFFFE0C0  }
0x57: {  	[spmem:s2] =	stream.indirect.scatter.add.f32 [tilespmem:s13], [sflag:$0x8], $0x40, s6, s7, $0xb8;
	[tilespmem:$0x1DB40] =	vst v63  }
0x58: {  	s22 =	simm.s32 $0x200  }
0x59: {  	[tilespmem:s15], [sflag:$0x5] =	stream.indirect.gather [hbm4b:s4+s7], $0x40, s22, s7, $0xb8;
	[tilespmem:$0x1DB40] =	vst v63  }
0x5a: {  	_ =	swait.ge [sflag:s5], $0x1F40  }
0x5b: {  	[sflag:s5] =	ssyncset.done $0x0  }
0x5c: {  	s31 =	simm.s32 $0x5180;
	[sflag:s5] =	ssyncadd.s32 $0xFFFFE0C0  }
0x5d: {  	[spmem:s2] =	stream.indirect.scatter.add.f32 [tilespmem:s14], [sflag:$0x9], $0x40, s31, s7, $0xb8;
	[tilespmem:$0x1DB40] =	vst v63  }
0x5e: {  	_ =	swait.ge [sflag:s0], $0x1F40  }
0x5f: {  	[sflag:s0] =	ssyncset.done $0x0  }
0x60: {  	s6 =	simm.s32 $0x280;
	[sflag:s0] =	ssyncadd.s32 $0xFFFFE0C0  }
0x61: {  	[tilespmem:s8], [sflag:$0x1] =	stream.indirect.gather [hbm4b:s4+s7], $0x40, s6, s7, $0xb8;
	[tilespmem:$0x1DB40] =	vst v63  }
0x62: {  	_ =	swait.ge [sflag:s16], $0x1F40  }
0x63: {  	[sflag:s16] =	ssyncset.done $0x0  }
0x64: {  	s22 =	simm.s32 $0x5200;
	[sflag:s16] =	ssyncadd.s32 $0xFFFFE0C0  }
0x65: {  	[spmem:s2] =	stream.indirect.scatter.add.f32 [tilespmem:s15], [sflag:$0xA], $0x40, s22, s7, $0xb8;
	[tilespmem:$0x1DB40] =	vst v63  }
0x66: {  	_ =	swait.ge [sflag:s17], $0x1F40  }
0x67: {  	[sflag:s17] =	ssyncset.done $0x0  }
0x68: {  	s31 =	simm.s32 $0x300;
	s22 =	simm.s32 $0x0;
	[sflag:s17] =	ssyncadd.s32 $0xFFFFE0C0  }
0x69: {  	[tilespmem:s10], [sflag:$0x2] =	stream.indirect.gather [hbm4b:s4+s7], $0x40, s31, s7, $0xb8;
	[tilespmem:$0x1DB40] =	vst v63  }
.LBB2_2:
0x6a: {  	_ =	swait.ge [sflag:s12], $0x1F40  }
0x6b: {  	s31 =	sshra.s32 s22, $0x2;
	[sflag:s12] =	ssyncset.done $0x0  }
0x6c: {  	s3 =	sadd.s32 $0x5280, s31;
	[sflag:s12] =	ssyncadd.s32 $0xFFFFE0C0  }
0x6d: {  	[spmem:s2] =	stream.indirect.scatter.add.f32 [tilespmem:s8], [sflag:$0x6], $0x40, s3, s7, $0xb8;
	[tilespmem:$0x1DB40] =	vst v63  }
0x6e: {  	_ =	swait.ge [sflag:s18], $0x1F40  }
0x6f: {  	[sflag:s18] =	ssyncset.done $0x0  }
0x70: {  	s6 =	sadd.s32 $0x380, s31;
	[sflag:s18] =	ssyncadd.s32 $0xFFFFE0C0  }
0x71: {  	[tilespmem:s13], [sflag:$0x3] =	stream.indirect.gather [hbm4b:s4+s7], $0x40, s6, s7, $0xb8;
	[tilespmem:$0x1DB40] =	vst v63  }
0x72: {  	_ =	swait.ge [sflag:s1], $0x1F40  }
0x73: {  	[sflag:s1] =	ssyncset.done $0x0  }
0x74: {  	s6 =	sadd.s32 $0x5300, s31;
	[sflag:s1] =	ssyncadd.s32 $0xFFFFE0C0  }
0x75: {  	[spmem:s2] =	stream.indirect.scatter.add.f32 [tilespmem:s10], [sflag:$0x7], $0x40, s6, s7, $0xb8;
	[tilespmem:$0x1DB40] =	vst v63  }
0x76: {  	_ =	swait.ge [sflag:s28], $0x1F40  }
0x77: {  	[sflag:s28] =	ssyncset.done $0x0  }
0x78: {  	s6 =	sadd.s32 $0x400, s31;
	[sflag:s28] =	ssyncadd.s32 $0xFFFFE0C0  }
0x79: {  	[tilespmem:s14], [sflag:$0x4] =	stream.indirect.gather [hbm4b:s4+s7], $0x40, s6, s7, $0xb8;
	[tilespmem:$0x1DB40] =	vst v63  }
0x7a: {  	_ =	swait.ge [sflag:s30], $0x1F40  }
0x7b: {  	[sflag:s30] =	ssyncset.done $0x0  }
0x7c: {  	s6 =	sadd.s32 $0x5380, s31;
	[sflag:s30] =	ssyncadd.s32 $0xFFFFE0C0  }
0x7d: {  	[spmem:s2] =	stream.indirect.scatter.add.f32 [tilespmem:s13], [sflag:$0x8], $0x40, s6, s7, $0xb8;
	[tilespmem:$0x1DB40] =	vst v63  }
0x7e: {  	_ =	swait.ge [sflag:s19], $0x1F40  }
0x7f: {  	[sflag:s19] =	ssyncset.done $0x0  }
0x80: {  	s6 =	sadd.s32 $0x480, s31;
	[sflag:s19] =	ssyncadd.s32 $0xFFFFE0C0  }
0x81: {  	[tilespmem:s15], [sflag:$0x5] =	stream.indirect.gather [hbm4b:s4+s7], $0x40, s6, s7, $0xb8;
	[tilespmem:$0x1DB40] =	vst v63  }
0x82: {  	_ =	swait.ge [sflag:s5], $0x1F40  }
0x83: {  	p0 =	seq.s32 s22, $0x12C00;
	[sflag:s5] =	ssyncset.done $0x0  }
.Ltmp0:
0x84: {  	s6 =	sadd.s32 $0x5400, s31;
	[sflag:s5] =	ssyncadd.s32 $0xFFFFE0C0;
	(pc) =	sbr.rel @p0 .LBB2_4-.Ltmp0, $4  }
0x85: {  	[spmem:s2] =	stream.indirect.scatter.add.f32 [tilespmem:s14], [sflag:$0x9], $0x40, s6, s7, $0xb8;
	[tilespmem:$0x1DB40] =	vst v63  }
0x86: {  	_ =	swait.ge [sflag:s0], $0x1F40  }
0x87: {  	[sflag:s0] =	ssyncset.done $0x0  }
0x88: {  	s3 =	sadd.s32 $0x5480, s31;
	[sflag:s0] =	ssyncadd.s32 $0xFFFFE0C0  }
0x89: {  	s6 =	sadd.s32 $0x500, s31  }
0x8a: {  	[tilespmem:s8], [sflag:$0x1] =	stream.indirect.gather [hbm4b:s4+s7], $0x40, s6, s7, $0xb8;
	[tilespmem:$0x1DB40] =	vst v63  }
0x8b: {  	_ =	swait.ge [sflag:s16], $0x1F40  }
0x8c: {  	[sflag:s16] =	ssyncset.done $0x0  }
0x8d: {  	[sflag:s16] =	ssyncadd.s32 $0xFFFFE0C0  }
0x8e: {  	[spmem:s2] =	stream.indirect.scatter.add.f32 [tilespmem:s15], [sflag:$0xA], $0x40, s3, s7, $0xb8;
	[tilespmem:$0x1DB40] =	vst v63  }
.Ltmp1:
0x8f: {  	_ = 	snop;
	(pc) =	sbr.rel .LBB2_2-.Ltmp1, $4  }
0x90: {  	_ =	swait.ge [sflag:s17], $0x1F40  }
0x91: {  	[sflag:s17] =	ssyncset.done $0x0  }
0x92: {  	s31 =	sadd.s32 $0x580, s31;
	s22 =	sadd.s32 $0xA00, s22;
	[sflag:s17] =	ssyncadd.s32 $0xFFFFE0C0  }
0x93: {  	[tilespmem:s10], [sflag:$0x2] =	stream.indirect.gather [hbm4b:s4+s7], $0x40, s31, s7, $0xb8;
	[tilespmem:$0x1DB40] =	vst v63  }
.LBB2_4:
0x94: {  	_ =	swait.ge [sflag:s16], $0x1F40  }
0x95: {  	[sflag:s16] =	ssyncset.done $0x0  }
0x96: {  	[sflag:s16] =	ssyncadd.s32 $0xFFFFE0C0  }
0x97: {  	[spmem:s2] =	stream.indirect.scatter.add.f32 [tilespmem:s15], [sflag:$0xA], $0x40, s3, s7, $0xb8;
	[tilespmem:$0x1DB40] =	vst v63  }
0x98: {  	_ =	swait.ge [sflag:s17], $0x1F40  }
0x99: {  	[sflag:s17] =	ssyncset.done $0x0  }
0x9a: {  	[sflag:s17] =	ssyncadd.s32 $0xFFFFE0C0  }
0x9b: {  	_ =	swait.ge [sflag:s18], $0x1F40  }
0x9c: {  	[sflag:s18] =	ssyncset.done $0x0  }
0x9d: {  	[sflag:s18] =	ssyncadd.s32 $0xFFFFE0C0  }
0x9e: {  	_ =	swait.ge [sflag:s28], $0x1F40  }
0x9f: {  	[sflag:s28] =	ssyncset.done $0x0  }
0xa0: {  	[sflag:s28] =	ssyncadd.s32 $0xFFFFE0C0  }
0xa1: {  	_ =	swait.ge [sflag:s19], $0x1F40  }
0xa2: {  	[sflag:s19] =	ssyncset.done $0x0  }
0xa3: {  	[sflag:s19] =	ssyncadd.s32 $0xFFFFE0C0  }
0xa4: {  	[bflag:$0x0] =	sbarrier.arrive $0xFFFF  }
0xa5: {  	v1 =	vld [tilespmem:$0x13EC0]  }
0xa6: {  	v2 =	vld [tilespmem:$0x13ED0]  }
0xa7: {  	v0 =	vld [tilespmem:$0x13EE0];
	s6 =	rddreg [dreg:$0x6]  }
0xa8: {  	v3 =	vld [tilespmem:$0x13EF0];
	[tilespmem:s8], [sflag:$0x1] =	stream.linear.gather [spmem:s6], $0x1F40, $0x38  }
0xa9: {  	s22 =	rddreg [dreg:$0xb]  }
0xaa: {  	[tilespmem:s10], [sflag:$0x2] =	stream.linear.gather [spmem:s22], $0x1F40, $0x38;
	[tilespmem:$0x1DB40] =	vst v63  }
0xab: {  	s6 =	rddreg [dreg:$0xc]  }
0xac: {  	[tilespmem:s13], [sflag:$0x3] =	stream.linear.gather [spmem:s6], $0x1F40, $0x38;
	[tilespmem:$0x1DB40] =	vst v63  }
0xad: {  	s22 =	rddreg [dreg:$0xd]  }
0xae: {  	[tilespmem:s14], [sflag:$0x4] =	stream.linear.gather [spmem:s22], $0x1F40, $0x38;
	[tilespmem:$0x1DB40] =	vst v63  }
0xaf: {  	s6 =	rddreg [dreg:$0xe];
	s22 =	sadd.s32 $0x0, s11  }
0xb0: {  	[tilespmem:s15], [sflag:$0x5] =	stream.linear.gather [spmem:s6], $0x1F40, $0x38;
	[tilespmem:$0x1DB40] =	vst v63  }
0xb1: {  	v4 =	vmov s22;
	_ =	swait.ge [sflag:s12], $0x1F40  }
0xb2: {  	[sflag:s12] =	ssyncset.done $0x0  }
0xb3: {  	s22 =	simm.s32 $0xA020;
	[sflag:s12] =	ssyncadd.s32 $0xFFFFE0C0  }
0xb4: {  	v5 =	vld [tilespmem:s22+$0xFFFFFFF0]  }
0xb5: {  	v6 =	vld [tilespmem:s22+$0x10]  }
0xb6: {  	v4 =	vld.idx.msk [tilespmem:v4+s29+$0x0], $0xffff  }
0xb7: {  	v7 =	vld [tilespmem:s22+$0xFFFFFFE0]  }
0xb8: {  	v8 =	vld [tilespmem:s22+$0x0];
	_ =	sdelay $0x3  }
0xb9: {  	v7 =	vmul.f32 v7, v4;
	v6 =	vmul.f32 v6, v4  }
0xba: {  	v9 =	vmul.f32 v5, v4;
	v10 =	vmul.f32 v8, v4  }
0xbb: {  	s6 =	sadd.s32 $0x1, s11;
	v5 =	vadd.f32 v7, v1;
	v8 =	vadd.f32 v6, v3  }
0xbc: {  	s31 =	simm.s32 $0x2;
	v4 =	vmov s6;
	s6 =	simm.s32 $0xA020;
	v7 =	vadd.f32 v9, v2;
	v6 =	vadd.f32 v10, v0  }
.LBB2_5:
0xbd: {  	p0 =	sne.s32 s31, $0x7C  }
0xbe: {  	[tilespmem:s22+$0x10] =	vst v8;
	s6 =	sadd.s32 $0x40, s6;
	s3 =	smov.u32 s31;
	s31 =	sadd.s32 $0x1, s31  }
0xbf: {  	[tilespmem:s22+$0xFFFFFFE0] =	vst v5  }
0xc0: {  	v5 =	vld [tilespmem:s6+$0xFFFFFFF0];
	[tilespmem:s22+$0xFFFFFFF0] =	vst v7  }
0xc1: {  	v7 =	vld [tilespmem:s6+$0x10];
	[tilespmem:s22+$0x0] =	vst v6;
	s22 =	smov.u32 s6  }
0xc2: {  	v4 =	vld.idx.msk [tilespmem:v4+s29+$0x0], $0xffff  }
0xc3: {  	v6 =	vld [tilespmem:s6+$0xFFFFFFE0]  }
0xc4: {  	v8 =	vld [tilespmem:s6+$0x0];
	_ =	sdelay $0x2  }
.Ltmp2:
0xc5: {  	(pc) =	sbr.rel @p0 .LBB2_5-.Ltmp2, $4  }
0xc6: {  	v7 =	vmul.f32 v7, v4;
	v6 =	vmul.f32 v6, v4  }
0xc7: {  	v9 =	vmul.f32 v5, v4;
	v10 =	vmul.f32 v8, v4  }
0xc8: {  	s3 =	sadd.s32 s3, s11;
	v8 =	vadd.f32 v7, v3;
	v5 =	vadd.f32 v6, v1  }
0xc9: {  	v4 =	vmov s3;
	v7 =	vadd.f32 v9, v2;
	v6 =	vadd.f32 v10, v0  }
0xca: {  	[tilespmem:s22+$0x10] =	vst v8  }
0xcb: {  	s3 =	sadd.s32 $0x40, s6;
	[tilespmem:s22+$0xFFFFFFE0] =	vst v5  }
0xcc: {  	v5 =	vld [tilespmem:s3+$0xFFFFFFF0];
	[tilespmem:s22+$0xFFFFFFF0] =	vst v7  }
0xcd: {  	v7 =	vld [tilespmem:s3+$0x10];
	[tilespmem:s22+$0x0] =	vst v6  }
0xce: {  	v4 =	vld.idx.msk [tilespmem:v4+s29+$0x0], $0xffff  }
0xcf: {  	v6 =	vld [tilespmem:s3+$0xFFFFFFE0];
	_ =	sdelay $0x1  }
0xd0: {  	v8 =	vld [tilespmem:s3+$0x0];
	_ =	sdelay $0x1  }
0xd1: {  	v7 =	vmul.f32 v7, v4  }
0xd2: {  	v6 =	vmul.f32 v6, v4  }
0xd3: {  	v5 =	vmul.f32 v5, v4;
	v7 =	vadd.f32 v7, v3  }
0xd4: {  	v4 =	vmul.f32 v8, v4;
	v6 =	vadd.f32 v6, v1  }
0xd5: {  	v5 =	vadd.f32 v5, v2;
	[tilespmem:s3+$0x10] =	vst v7  }
0xd6: {  	v4 =	vadd.f32 v4, v0;
	[tilespmem:s3+$0xFFFFFFE0] =	vst v6  }
0xd7: {  	[tilespmem:s3+$0xFFFFFFF0] =	vst v5  }
0xd8: {  	s22 =	rddreg [dreg:$0xf];
	[tilespmem:s3+$0x0] =	vst v4  }
0xd9: {  	[hbm4b:s22+s20] =	stream.strided.scatter [tilespmem:s8], [sflag:$0x6], $0x1F40, s9, s20, $0x38;
	[tilespmem:$0x1DB40] =	vst v63  }
0xda: {  	s3 =	sadd.s32 $0x0, s23;
	_ =	swait.ge [sflag:s1], $0x1F40  }
0xdb: {  	v4 =	vmov s3;
	[sflag:s1] =	ssyncset.done $0x0  }
0xdc: {  	s22 =	simm.s32 $0xBF70;
	[sflag:s1] =	ssyncadd.s32 $0xFFFFE0C0  }
0xdd: {  	v5 =	vld [tilespmem:s22+$0xFFFFFFE0]  }
0xde: {  	v6 =	vld [tilespmem:s22+$0xFFFFFFD0]  }
0xdf: {  	v7 =	vld [tilespmem:s22+$0xFFFFFFF0]  }
0xe0: {  	v4 =	vld.idx.msk [tilespmem:v4+s29+$0x0], $0xffff  }
0xe1: {  	v8 =	vld [tilespmem:s22+$0x0];
	_ =	sdelay $0x3  }
0xe2: {  	v6 =	vmul.f32 v6, v4;
	v9 =	vmul.f32 v5, v4  }
0xe3: {  	v5 =	vmul.f32 v7, v4;
	v4 =	vmul.f32 v8, v4  }
0xe4: {  	s6 =	simm.s32 $0x2;
	s31 =	simm.s32 $0xBF70;
	s3 =	sadd.s32 $0x1, s23;
	v7 =	vadd.f32 v6, v1;
	v6 =	vadd.f32 v9, v2  }
.LBB2_7:
0xe5: {  	p0 =	sne.s32 s6, $0x7C;
	v8 =	vmov s3;
	v5 =	vadd.f32 v5, v0;
	v4 =	vadd.f32 v4, v3  }
0xe6: {  	[tilespmem:s22+$0xFFFFFFD0] =	vst v7  }
0xe7: {  	s22 =	sadd.s32 $0x40, s22;
	[tilespmem:s31+$0xFFFFFFE0] =	vst v6  }
0xe8: {  	v6 =	vld [tilespmem:s22+$0xFFFFFFF0];
	[tilespmem:s31+$0xFFFFFFF0] =	vst v5  }
0xe9: {  	v5 =	vld [tilespmem:s22+$0xFFFFFFE0];
	[tilespmem:s31+$0x0] =	vst v4;
	s31 =	smov.u32 s22  }
0xea: {  	v4 =	vld.idx.msk [tilespmem:v8+s29+$0x0], $0xffff  }
0xeb: {  	v7 =	vld [tilespmem:s22+$0xFFFFFFD0]  }
0xec: {  	v8 =	vld [tilespmem:s22+$0x0];
	_ =	sdelay $0x1  }
.Ltmp3:
0xed: {  	(pc) =	sbr.rel @p0 .LBB2_7-.Ltmp3, $4  }
0xee: {  	_ = 	snop  }
0xef: {  	v9 =	vmul.f32 v5, v4;
	v7 =	vmul.f32 v7, v4  }
0xf0: {  	v5 =	vmul.f32 v6, v4;
	v4 =	vmul.f32 v8, v4  }
0xf1: {  	s3 =	sadd.s32 s6, s23;
	s6 =	sadd.s32 $0x1, s6;
	v6 =	vadd.f32 v9, v2;
	v7 =	vadd.f32 v7, v1  }
0xf2: {  	_ = 	snop  }
0xf3: {  	[tilespmem:s22+$0xFFFFFFD0] =	vst v7;
	v7 =	vmov s3  }
0xf4: {  	v5 =	vadd.f32 v5, v0  }
0xf5: {  	s6 =	sadd.s32 $0x40, s22;
	v4 =	vadd.f32 v4, v3;
	[tilespmem:s31+$0xFFFFFFE0] =	vst v6  }
0xf6: {  	v6 =	vld [tilespmem:s6+$0xFFFFFFF0];
	[tilespmem:s31+$0xFFFFFFF0] =	vst v5  }
0xf7: {  	v5 =	vld [tilespmem:s6+$0xFFFFFFE0];
	[tilespmem:s31+$0x0] =	vst v4  }
0xf8: {  	v4 =	vld.idx.msk [tilespmem:v7+s29+$0x0], $0xffff  }
0xf9: {  	v7 =	vld [tilespmem:s6+$0xFFFFFFD0];
	_ =	sdelay $0x2  }
0xfa: {  	v8 =	vld [tilespmem:s6+$0x0];
	_ =	sdelay $0x1  }
0xfb: {  	v7 =	vmul.f32 v7, v4  }
0xfc: {  	v5 =	vmul.f32 v5, v4  }
0xfd: {  	v6 =	vmul.f32 v6, v4;
	v7 =	vadd.f32 v7, v1  }
0xfe: {  	v4 =	vmul.f32 v8, v4;
	v5 =	vadd.f32 v5, v2  }
0xff: {  	v6 =	vadd.f32 v6, v0;
	[tilespmem:s6+$0xFFFFFFD0] =	vst v7  }
0x100: {  	v4 =	vadd.f32 v4, v3;
	[tilespmem:s6+$0xFFFFFFE0] =	vst v5  }
0x101: {  	[tilespmem:s6+$0xFFFFFFF0] =	vst v6  }
0x102: {  	s22 =	sadd.s32 $0x0, s24;
	[tilespmem:s6+$0x0] =	vst v4;
	s6 =	rddreg [dreg:$0x10]  }
0x103: {  	v4 =	vmov s22;
	[hbm4b:s6+s20] =	stream.strided.scatter [tilespmem:s10], [sflag:$0x7], $0x1F40, s9, s20, $0x38;
	[tilespmem:$0x1DB40] =	vst v63  }
0x104: {  	_ =	swait.ge [sflag:s30], $0x1F40  }
0x105: {  	[sflag:s30] =	ssyncset.done $0x0  }
0x106: {  	s22 =	simm.s32 $0xDEB0;
	[sflag:s30] =	ssyncadd.s32 $0xFFFFE0C0  }
0x107: {  	v5 =	vld [tilespmem:s22+$0xFFFFFFE0]  }
0x108: {  	v4 =	vld.idx.msk [tilespmem:v4+s29+$0x0], $0xffff  }
0x109: {  	v6 =	vld [tilespmem:s22+$0xFFFFFFD0]  }
0x10a: {  	v7 =	vld [tilespmem:s22+$0xFFFFFFF0]  }
0x10b: {  	v8 =	vld [tilespmem:s22+$0x0];
	_ =	sdelay $0x3  }
0x10c: {  	v6 =	vmul.f32 v6, v4;
	v9 =	vmul.f32 v5, v4  }
0x10d: {  	v5 =	vmul.f32 v7, v4;
	v4 =	vmul.f32 v8, v4  }
0x10e: {  	s3 =	sadd.s32 $0x1, s24;
	s31 =	simm.s32 $0xDEB0;
	s6 =	simm.s32 $0x2;
	v7 =	vadd.f32 v6, v1;
	v6 =	vadd.f32 v9, v2  }
.LBB2_9:
0x10f: {  	p0 =	sne.s32 s6, $0x7C;
	v8 =	vmov s3;
	v5 =	vadd.f32 v5, v0;
	v4 =	vadd.f32 v4, v3  }
0x110: {  	[tilespmem:s22+$0xFFFFFFD0] =	vst v7  }
0x111: {  	s22 =	sadd.s32 $0x40, s22;
	[tilespmem:s31+$0xFFFFFFE0] =	vst v6  }
0x112: {  	v6 =	vld [tilespmem:s22+$0xFFFFFFF0];
	[tilespmem:s31+$0xFFFFFFF0] =	vst v5  }
0x113: {  	v5 =	vld [tilespmem:s22+$0xFFFFFFE0];
	[tilespmem:s31+$0x0] =	vst v4;
	s31 =	smov.u32 s22  }
0x114: {  	v4 =	vld.idx.msk [tilespmem:v8+s29+$0x0], $0xffff  }
0x115: {  	v7 =	vld [tilespmem:s22+$0xFFFFFFD0]  }
0x116: {  	v8 =	vld [tilespmem:s22+$0x0];
	_ =	sdelay $0x1  }
.Ltmp4:
0x117: {  	(pc) =	sbr.rel @p0 .LBB2_9-.Ltmp4, $4  }
0x118: {  	_ = 	snop  }
0x119: {  	v9 =	vmul.f32 v5, v4;
	v7 =	vmul.f32 v7, v4  }
0x11a: {  	v5 =	vmul.f32 v6, v4;
	v4 =	vmul.f32 v8, v4  }
0x11b: {  	s3 =	sadd.s32 s6, s24;
	s6 =	sadd.s32 $0x1, s6;
	v6 =	vadd.f32 v9, v2;
	v7 =	vadd.f32 v7, v1  }
0x11c: {  	_ = 	snop  }
0x11d: {  	[tilespmem:s22+$0xFFFFFFD0] =	vst v7;
	v7 =	vmov s3  }
0x11e: {  	v5 =	vadd.f32 v5, v0  }
0x11f: {  	v4 =	vadd.f32 v4, v3;
	s22 =	sadd.s32 $0x40, s22;
	[tilespmem:s31+$0xFFFFFFE0] =	vst v6  }
0x120: {  	v6 =	vld [tilespmem:s22+$0xFFFFFFF0];
	[tilespmem:s31+$0xFFFFFFF0] =	vst v5  }
0x121: {  	v5 =	vld [tilespmem:s22+$0xFFFFFFE0];
	[tilespmem:s31+$0x0] =	vst v4  }
0x122: {  	v4 =	vld.idx.msk [tilespmem:v7+s29+$0x0], $0xffff  }
0x123: {  	v7 =	vld [tilespmem:s22+$0xFFFFFFD0];
	_ =	sdelay $0x2  }
0x124: {  	v8 =	vld [tilespmem:s22+$0x0];
	_ =	sdelay $0x1  }
0x125: {  	v7 =	vmul.f32 v7, v4  }
0x126: {  	v5 =	vmul.f32 v5, v4  }
0x127: {  	v6 =	vmul.f32 v6, v4;
	v7 =	vadd.f32 v7, v1  }
0x128: {  	v4 =	vmul.f32 v8, v4;
	v5 =	vadd.f32 v5, v2  }
0x129: {  	v6 =	vadd.f32 v6, v0;
	[tilespmem:s22+$0xFFFFFFD0] =	vst v7  }
0x12a: {  	v4 =	vadd.f32 v4, v3;
	[tilespmem:s22+$0xFFFFFFE0] =	vst v5  }
0x12b: {  	[tilespmem:s22+$0xFFFFFFF0] =	vst v6  }
0x12c: {  	s6 =	rddreg [dreg:$0x11];
	[tilespmem:s22+$0x0] =	vst v4  }
0x12d: {  	[hbm4b:s6+s20] =	stream.strided.scatter [tilespmem:s13], [sflag:$0x8], $0x1F40, s9, s20, $0x38;
	[tilespmem:$0x1DB40] =	vst v63  }
0x12e: {  	s22 =	sadd.s32 $0x0, s25;
	_ =	swait.ge [sflag:s5], $0x1F40  }
0x12f: {  	v4 =	vmov s22;
	[sflag:s5] =	ssyncset.done $0x0  }
0x130: {  	s22 =	simm.s32 $0xFDC0;
	[sflag:s5] =	ssyncadd.s32 $0xFFFFE0C0  }
0x131: {  	v5 =	vld [tilespmem:s22+$0x30]  }
0x132: {  	v6 =	vld [tilespmem:s22+$0x10]  }
0x133: {  	v7 =	vld [tilespmem:s22+$0x0]  }
0x134: {  	v4 =	vld.idx.msk [tilespmem:v4+s29+$0x0], $0xffff  }
0x135: {  	v8 =	vld [tilespmem:s22+$0x20];
	_ =	sdelay $0x3  }
0x136: {  	v7 =	vmul.f32 v7, v4;
	v9 =	vmul.f32 v5, v4  }
0x137: {  	v6 =	vmul.f32 v6, v4;
	v10 =	vmul.f32 v8, v4  }
0x138: {  	s6 =	sadd.s32 $0x1, s25;
	v5 =	vadd.f32 v7, v1;
	v8 =	vadd.f32 v9, v3  }
0x139: {  	s31 =	simm.s32 $0x2;
	v4 =	vmov s6;
	s6 =	simm.s32 $0xFDC0;
	v7 =	vadd.f32 v6, v2;
	v6 =	vadd.f32 v10, v0  }
.LBB2_11:
0x13a: {  	p0 =	sne.s32 s31, $0x7C  }
0x13b: {  	[tilespmem:s22+$0x30] =	vst v8;
	s6 =	sadd.s32 $0x40, s6;
	s3 =	smov.u32 s31;
	s31 =	sadd.s32 $0x1, s31  }
0x13c: {  	[tilespmem:s22+$0x0] =	vst v5  }
0x13d: {  	v5 =	vld [tilespmem:s6+$0x30];
	[tilespmem:s22+$0x10] =	vst v7  }
0x13e: {  	v7 =	vld [tilespmem:s6+$0x10];
	[tilespmem:s22+$0x20] =	vst v6;
	s22 =	smov.u32 s6  }
0x13f: {  	v4 =	vld.idx.msk [tilespmem:v4+s29+$0x0], $0xffff  }
0x140: {  	v6 =	vld [tilespmem:s6+$0x0]  }
0x141: {  	v8 =	vld [tilespmem:s6+$0x20];
	_ =	sdelay $0x2  }
.Ltmp5:
0x142: {  	(pc) =	sbr.rel @p0 .LBB2_11-.Ltmp5, $4  }
0x143: {  	v9 =	vmul.f32 v5, v4;
	v6 =	vmul.f32 v6, v4  }
0x144: {  	v7 =	vmul.f32 v7, v4;
	v10 =	vmul.f32 v8, v4  }
0x145: {  	s3 =	sadd.s32 s3, s25;
	v8 =	vadd.f32 v9, v3;
	v5 =	vadd.f32 v6, v1  }
0x146: {  	v4 =	vmov s3;
	v7 =	vadd.f32 v7, v2;
	v6 =	vadd.f32 v10, v0  }
0x147: {  	[tilespmem:s22+$0x30] =	vst v8  }
0x148: {  	s3 =	sadd.s32 $0x40, s6;
	[tilespmem:s22+$0x0] =	vst v5  }
0x149: {  	v5 =	vld [tilespmem:s3+$0x30];
	[tilespmem:s22+$0x10] =	vst v7  }
0x14a: {  	v7 =	vld [tilespmem:s3+$0x10];
	[tilespmem:s22+$0x20] =	vst v6  }
0x14b: {  	v4 =	vld.idx.msk [tilespmem:v4+s29+$0x0], $0xffff  }
0x14c: {  	v6 =	vld [tilespmem:s3+$0x0];
	_ =	sdelay $0x1  }
0x14d: {  	v8 =	vld [tilespmem:s3+$0x20];
	_ =	sdelay $0x1  }
0x14e: {  	v5 =	vmul.f32 v5, v4  }
0x14f: {  	v6 =	vmul.f32 v6, v4  }
0x150: {  	v7 =	vmul.f32 v7, v4;
	v5 =	vadd.f32 v5, v3  }
0x151: {  	v4 =	vmul.f32 v8, v4;
	v6 =	vadd.f32 v6, v1  }
0x152: {  	v7 =	vadd.f32 v7, v2;
	[tilespmem:s3+$0x30] =	vst v5  }
0x153: {  	v4 =	vadd.f32 v4, v0;
	[tilespmem:s3+$0x0] =	vst v6  }
0x154: {  	[tilespmem:s3+$0x10] =	vst v7  }
0x155: {  	s6 =	rddreg [dreg:$0x12];
	s22 =	sadd.s32 $0x0, s26;
	[tilespmem:s3+$0x20] =	vst v4  }
0x156: {  	[hbm4b:s6+s20] =	stream.strided.scatter [tilespmem:s14], [sflag:$0x9], $0x1F40, s9, s20, $0x38;
	[tilespmem:$0x1DB40] =	vst v63  }
0x157: {  	v4 =	vmov s22;
	_ =	swait.ge [sflag:s16], $0x1F40  }
0x158: {  	[sflag:s16] =	ssyncset.done $0x0  }
0x159: {  	s22 =	simm.s32 $0x11D00;
	[sflag:s16] =	ssyncadd.s32 $0xFFFFE0C0  }
0x15a: {  	v5 =	vld [tilespmem:s22+$0x30]  }
0x15b: {  	v6 =	vld [tilespmem:s22+$0x10]  }
0x15c: {  	v4 =	vld.idx.msk [tilespmem:v4+s29+$0x0], $0xffff  }
0x15d: {  	v7 =	vld [tilespmem:s22+$0x0]  }
0x15e: {  	v8 =	vld [tilespmem:s22+$0x20];
	_ =	sdelay $0x3  }
0x15f: {  	v7 =	vmul.f32 v7, v4;
	v9 =	vmul.f32 v5, v4  }
0x160: {  	v6 =	vmul.f32 v6, v4;
	v10 =	vmul.f32 v8, v4  }
0x161: {  	s6 =	sadd.s32 $0x1, s26;
	v5 =	vadd.f32 v7, v1;
	v8 =	vadd.f32 v9, v3  }
0x162: {  	s31 =	simm.s32 $0x2;
	v4 =	vmov s6;
	s6 =	simm.s32 $0x11D00;
	v7 =	vadd.f32 v6, v2;
	v6 =	vadd.f32 v10, v0  }
.LBB2_13:
0x163: {  	p0 =	sne.s32 s31, $0x7C  }
0x164: {  	[tilespmem:s22+$0x30] =	vst v8;
	s6 =	sadd.s32 $0x40, s6;
	s3 =	smov.u32 s31;
	s31 =	sadd.s32 $0x1, s31  }
0x165: {  	[tilespmem:s22+$0x0] =	vst v5  }
0x166: {  	v5 =	vld [tilespmem:s6+$0x30];
	[tilespmem:s22+$0x10] =	vst v7  }
0x167: {  	v7 =	vld [tilespmem:s6+$0x10];
	[tilespmem:s22+$0x20] =	vst v6;
	s22 =	smov.u32 s6  }
0x168: {  	v4 =	vld.idx.msk [tilespmem:v4+s29+$0x0], $0xffff  }
0x169: {  	v6 =	vld [tilespmem:s6+$0x0]  }
0x16a: {  	v8 =	vld [tilespmem:s6+$0x20];
	_ =	sdelay $0x2  }
.Ltmp6:
0x16b: {  	(pc) =	sbr.rel @p0 .LBB2_13-.Ltmp6, $4  }
0x16c: {  	v9 =	vmul.f32 v5, v4;
	v6 =	vmul.f32 v6, v4  }
0x16d: {  	v7 =	vmul.f32 v7, v4;
	v10 =	vmul.f32 v8, v4  }
0x16e: {  	s3 =	sadd.s32 s3, s26;
	v8 =	vadd.f32 v9, v3;
	v5 =	vadd.f32 v6, v1  }
0x16f: {  	v4 =	vmov s3;
	v7 =	vadd.f32 v7, v2;
	v6 =	vadd.f32 v10, v0  }
0x170: {  	[tilespmem:s22+$0x30] =	vst v8  }
0x171: {  	s3 =	sadd.s32 $0x40, s6;
	[tilespmem:s22+$0x0] =	vst v5  }
0x172: {  	v5 =	vld [tilespmem:s3+$0x30];
	[tilespmem:s22+$0x10] =	vst v7  }
0x173: {  	v7 =	vld [tilespmem:s3+$0x10];
	[tilespmem:s22+$0x20] =	vst v6  }
0x174: {  	v4 =	vld.idx.msk [tilespmem:v4+s29+$0x0], $0xffff  }
0x175: {  	v6 =	vld [tilespmem:s3+$0x0];
	_ =	sdelay $0x1  }
0x176: {  	v8 =	vld [tilespmem:s3+$0x20];
	_ =	sdelay $0x1  }
0x177: {  	v5 =	vmul.f32 v5, v4  }
0x178: {  	v6 =	vmul.f32 v6, v4  }
0x179: {  	v7 =	vmul.f32 v7, v4;
	v3 =	vadd.f32 v5, v3  }
0x17a: {  	v4 =	vmul.f32 v8, v4;
	v1 =	vadd.f32 v6, v1  }
0x17b: {  	v2 =	vadd.f32 v7, v2;
	[tilespmem:s3+$0x30] =	vst v3  }
0x17c: {  	v0 =	vadd.f32 v4, v0;
	[tilespmem:s3+$0x0] =	vst v1  }
0x17d: {  	[tilespmem:s3+$0x10] =	vst v2  }
0x17e: {  	s22 =	rddreg [dreg:$0x13];
	[tilespmem:s3+$0x20] =	vst v0  }
0x17f: {  	[hbm4b:s22+s20] =	stream.strided.scatter [tilespmem:s15], [sflag:$0xA], $0x1F40, s9, s20, $0x38;
	[tilespmem:$0x1DB40] =	vst v63  }
0x180: {  	_ =	swait.ge [sflag:s0], $0x1F40  }
0x181: {  	[sflag:s0] =	ssyncset.done $0x0  }
0x182: {  	[sflag:s0] =	ssyncadd.s32 $0xFFFFE0C0  }
0x183: {  	_ =	swait.ge [sflag:s17], $0x1F40  }
0x184: {  	[sflag:s17] =	ssyncset.done $0x0  }
0x185: {  	[sflag:s17] =	ssyncadd.s32 $0xFFFFE0C0  }
0x186: {  	_ =	swait.ge [sflag:s18], $0x1F40  }
0x187: {  	[sflag:s18] =	ssyncset.done $0x0  }
0x188: {  	[sflag:s18] =	ssyncadd.s32 $0xFFFFE0C0  }
0x189: {  	_ =	swait.ge [sflag:s28], $0x1F40  }
0x18a: {  	[sflag:s28] =	ssyncset.done $0x0  }
0x18b: {  	[sflag:s28] =	ssyncadd.s32 $0xFFFFE0C0  }
0x18c: {  	_ =	swait.ge [sflag:s19], $0x1F40  }
0x18d: {  	s21 =	sadd.s32 $0x1, s21;
	s31 =	rddreg [dreg:$0x14]  }
0x18e: {  	p0 =	sne.s32 s21, s31  }
.Ltmp7:
0x18f: {  	_ = 	snop;
	(pc) =	sbr.rel @p0 .LBB2_1-.Ltmp7, $3  }
0x190: {  	_ =	sdelay $0x1  }
0x191: {  	[sflag:s19] =	ssyncset.done $0x0  }
0x192: {  	[sflag:s19] =	ssyncadd.s32 $0xFFFFE0C0  }
0x193: {  	_ =	sfence.sel $0x180000  }
0x194: {  	[bflag:$0x0] =	sbarrier.arrive $0xFFFF  }
0x195: {  	_ =	strace $0x9000004A  }
0x196: {  	s0 =	stileid.u32;
	[bflag:$0x2] =	sbarrier.arrive $0xFFFF  }
0x197: {  	p0 =	sne.s32 s0, $0x0;
	s0 =	rddreg [dreg:$0x4]  }
0x198: {  	s0 =	sadd.s32 @!p0 $0x100000, s0  }
0x199: {  	[sflag:s0] =	ssyncadd.tile.s32 @!p0 $0x1;
	_ =	shalt  }
.Lfunc_end2:
_tile_overlayer_lowered:
.L_overlay_start_2:
0x19a: {  	(tag) =	ssettag $0x2  }
0x19b: {  	s0 =	rddreg [dreg:$0x0];
	s2 =	stileid.u32  }
0x19c: {  	s1 =	rddreg [dreg:$0x1];
	p0 =	sne.s32 s2, $0x0  }
0x19d: {  	s3 =	rddreg [dreg:$0x2];
	[bflag:$0x3] =	sbarrier.arrive $0xFFFF;
	s2 =	simm.s32 @!p0 $0x1C0B  }
0x19e: {  	[timem:s3], [sflag:s2] =	dma.local @!p0 [hbm:s0], s1  }
0x19f: {  	s0 =	simm.s32 @!p0 $0xB  }
0x1a0: {  	_ =	swait.ge @!p0 [sflag:s0], s1  }
0x1a1: {  	s1 =	ssub.s32 @!p0 $0x0, s1;
	[sflag:s0] =	ssyncset.done @!p0 $0x0  }
0x1a2: {  	[sflag:s0] =	ssyncadd.s32 @!p0 s1  }
0x1a3: {  	[bflag:$0x3] =	sbarrier.arrive $0xFFFF  }
0x1a4: {  	_ =	shalt  }

</sc_bundles>
